<compile_context>
chip_gen: v7x
topology: tpu7x:2x2x1
jax: 0.10.2.dev20260603
libtpu: 0.0.44.dev20260713+nightly
codegen_flags: <defaults>
</compile_context>

<pallas_src>
import functools

import jax
import jax.numpy as jnp
from jax import lax
from jax.experimental import pallas as pl
from jax.experimental.pallas import tpu as pltpu
from jax.experimental.pallas import tpu_sc as plsc

N = 10000
P = 320000
F = 128
NBF = 32

NC = 2
NS = 16
LANES = 16

EDGES_PER_TILE = P // (NC * NS)
EB = 80
NBLK = EDGES_PER_TILE // EB
CHUNK = 25
NCHUNK = NBLK // CHUNK
NBLKG = P // EB
ROWS_PER_TILE = 624


def _swish(v):
    return v * jax.nn.sigmoid(v)



def _node_mlps_body(x_ref, *refs):
    w_refs = refs[:24]
    out_refs = refs[24:]
    x = x_ref[...]
    for br in range(4):
        w1t, b1, w2t, b2, wot, bo = w_refs[br * 6:(br + 1) * 6]
        y = _swish(x)
        y = jnp.dot(y, w1t[...], preferred_element_type=jnp.float32) + b1[...][None, :]
        y = _swish(y)
        y = jnp.dot(y, w2t[...], preferred_element_type=jnp.float32) + b2[...][None, :]
        h = x + y
        h = _swish(h)
        h = jnp.dot(h, wot[...], preferred_element_type=jnp.float32) + bo[...][None, :]
        if br == 0:
            out_refs[0][...] = h
        else:
            out_refs[1][br - 1] = h


def _node_mlps(x, branch_params):
    blk = 1000
    grid = N // blk
    flat_w = []
    for bp in branch_params:
        blkp = bp["blocks"][0]
        flat_w += [
            blkp["lin1"]["w"].T, blkp["lin1"]["b"],
            blkp["lin2"]["w"].T, blkp["lin2"]["b"],
            bp["out"]["w"].T, bp["out"]["b"],
        ]
    w_specs = []
    for w in flat_w:
        nd = w.ndim
        w_specs.append(pl.BlockSpec(w.shape, (lambda i, nd=nd: (0,) * nd)))
    return pl.pallas_call(
        _node_mlps_body,
        grid=(grid,),
        in_specs=[pl.BlockSpec((blk, F), lambda i: (i, 0))] + w_specs,
        out_specs=[pl.BlockSpec((blk, F), lambda i: (i, 0)),
                   pl.BlockSpec((3, blk, F), lambda i: (0, i, 0))],
        out_shape=[jax.ShapeDtypeStruct((N, F), jnp.float32),
                   jax.ShapeDtypeStruct((3, N, F), jnp.float32)],
    )(x, *flat_w)



def _radial_body(rbf_ref, pij_ref, dij_ref, ws_ref, wp_ref, wd_ref, out_ref):
    r = rbf_ref[...]
    gs = jnp.dot(r, ws_ref[...], preferred_element_type=jnp.float32)
    gp = jnp.dot(r, wp_ref[...], preferred_element_type=jnp.float32)
    gd = jnp.dot(r, wd_ref[...], preferred_element_type=jnp.float32)
    out_ref[0] = gs
    for k in range(3):
        out_ref[1 + k] = gp * pij_ref[...][:, k:k + 1]
    for k in range(5):
        out_ref[4 + k] = gd * dij_ref[...][:, k:k + 1]


def _radial(rbf, pij, dij, ws_t, wp_t, wd_t):
    blk = 2000
    grid = P // blk
    wspec = pl.BlockSpec((NBF, F), lambda i: (0, 0))
    return pl.pallas_call(
        _radial_body,
        grid=(grid,),
        in_specs=[pl.BlockSpec((blk, NBF), lambda i: (i, 0)),
                  pl.BlockSpec((blk, 3), lambda i: (i, 0)),
                  pl.BlockSpec((blk, 5), lambda i: (i, 0)),
                  wspec, wspec, wspec],
        out_specs=pl.BlockSpec((9, blk, F), lambda i: (0, i, 0)),
        out_shape=jax.ShapeDtypeStruct((9, P, F), jnp.float32),
    )(rbf, pij, dij, ws_t, wp_t, wd_t)



def _sc_all_body(tables, coeffs, idx_i, idx_j, zeros, out,
                 acc, idxi_c, idxj_c, gath_v, coef_v,
                 semi0, semi1):
    sems_in = (semi0, semi1)

    c = lax.axis_index("c")
    s = lax.axis_index("s")
    w = c * NS + s
    base = w * EDGES_PER_TILE

    def phase(p, carry0):
        tsel = jnp.where(p == 0, 0, jnp.where(p <= 3, 1, 2))

        @pl.when(s == 0)
        def _init():
            pltpu.sync_copy(zeros, acc)

        plsc.subcore_barrier()

        def chunk(ch, carry):
            cbase = base + ch * CHUNK * EB
            pltpu.sync_copy(idx_i.at[w, ch], idxi_c)
            pltpu.sync_copy(idx_j.at[w, ch], idxj_c)

            def issue(b, slot):
                sem = sems_in[slot]
                pltpu.async_copy(tables.at[tsel].at[idxj_c.at[b]], gath_v.at[slot], sem)
                pltpu.async_copy(coeffs.at[p, pl.ds(cbase + b * EB, EB), :],
                                 coef_v.at[slot], sem)

            def consume(b, slot):
                sem = sems_in[slot]
                pltpu.make_async_copy(tables.at[0].at[idxj_c.at[b]], gath_v.at[slot], sem).wait()
                pltpu.make_async_copy(coeffs.at[p, pl.ds(cbase + b * EB, EB), :],
                                      coef_v.at[slot], sem).wait()

                def row(r, carry2):
                    for k in range(F // LANES):
                        sl = pl.ds(k * LANES, LANES)
                        gath_v[slot, r, sl] = coef_v[slot, r, sl] * gath_v[slot, r, sl]
                    return carry2

                lax.fori_loop(0, EB, row, 0, unroll=False)
                pltpu.sync_copy(gath_v.at[slot], acc.at[idxi_c.at[b]], add=True)

            issue(0, 0)

            def pair(bb, carry2):
                b0 = bb * 2
                issue(b0 + 1, 1)
                consume(b0, 0)
                issue(b0 + 2, 0)
                consume(b0 + 1, 1)
                return carry2

            lax.fori_loop(0, (CHUNK - 1) // 2, pair, 0, unroll=False)
            consume(CHUNK - 1, 0)
            return carry

        lax.fori_loop(0, NCHUNK, chunk, 0, unroll=False)

        plsc.subcore_barrier()
        pltpu.sync_copy(acc.at[pl.ds(s * ROWS_PER_TILE, ROWS_PER_TILE), :],
                        out.at[p, c, pl.ds(s * ROWS_PER_TILE, ROWS_PER_TILE), :])

        @pl.when(s == NS - 1)
        def _tail():
            pltpu.sync_copy(acc.at[pl.ds(NS * ROWS_PER_TILE, N - NS * ROWS_PER_TILE), :],
                            out.at[p, c, pl.ds(NS * ROWS_PER_TILE, N - NS * ROWS_PER_TILE), :])

        plsc.subcore_barrier()
        return carry0

    lax.fori_loop(0, 9, phase, 0, unroll=False)


def _make_sc_all():
    mesh = plsc.VectorSubcoreMesh(
        core_axis_name="c", subcore_axis_name="s", num_cores=NC, num_subcores=NS)
    scratch = [
        pltpu.VMEM_SHARED((N, F), jnp.float32),
        pltpu.VMEM((CHUNK, EB), jnp.int32),
        pltpu.VMEM((CHUNK, EB), jnp.int32),
        pltpu.VMEM((2, EB, F), jnp.float32),
        pltpu.VMEM((2, EB, F), jnp.float32),
        pltpu.SemaphoreType.DMA,
        pltpu.SemaphoreType.DMA,
    ]
    return pl.kernel(
        _sc_all_body,
        out_type=jax.ShapeDtypeStruct((9, NC, N, F), jnp.float32),
        mesh=mesh,
        scratch_types=scratch,
    )



def _combine_body(*refs):
    xx_ref = refs[0]
    planes_ref = refs[1]
    ppt, pdt, w1t, b1, w2t, b2, wot, bo = refs[2:10]
    out_ref = refs[10]

    tot = xx_ref[...] + planes_ref[0, 0] + planes_ref[0, 1]
    for k in range(3):
        pk = planes_ref[1 + k, 0] + planes_ref[1 + k, 1]
        ab = jnp.dot(pk, ppt[...], preferred_element_type=jnp.float32)
        tot = tot + ab[:, :F] * ab[:, F:]
    for k in range(5):
        dk = planes_ref[4 + k, 0] + planes_ref[4 + k, 1]
        ab = jnp.dot(dk, pdt[...], preferred_element_type=jnp.float32)
        tot = tot + ab[:, :F] * ab[:, F:]

    y = _swish(tot)
    y = jnp.dot(y, w1t[...], preferred_element_type=jnp.float32) + b1[...][None, :]
    y = _swish(y)
    y = jnp.dot(y, w2t[...], preferred_element_type=jnp.float32) + b2[...][None, :]
    h = tot + y
    h = _swish(h)
    out_ref[...] = jnp.dot(h, wot[...], preferred_element_type=jnp.float32) + bo[...][None, :]


def _combine(xx, planes, proj_p_t, proj_d_t, res_params):
    blk = 1000
    grid = N // blk
    blkp = res_params["blocks"][0]
    ws = [proj_p_t, proj_d_t,
          blkp["lin1"]["w"].T, blkp["lin1"]["b"],
          blkp["lin2"]["w"].T, blkp["lin2"]["b"],
          res_params["out"]["w"].T, res_params["out"]["b"]]
    w_specs = []
    for w in ws:
        nd = w.ndim
        w_specs.append(pl.BlockSpec(w.shape, (lambda i, nd=nd: (0,) * nd)))
    return pl.pallas_call(
        _combine_body,
        grid=(grid,),
        in_specs=[pl.BlockSpec((blk, F), lambda i: (i, 0)),
                  pl.BlockSpec((9, NC, blk, F), lambda i: (0, 0, i, 0))] + w_specs,
        out_specs=pl.BlockSpec((blk, F), lambda i: (i, 0)),
        out_shape=jax.ShapeDtypeStruct((N, F), jnp.float32),
    )(xx, planes, *ws)



def kernel(x, rbf, pij, dij, idx_i, idx_j, params):
    xx, tables = _node_mlps(
        x, [params["resblock_x"], params["resblock_s"],
            params["resblock_p"], params["resblock_d"]])

    coeffs = _radial(rbf, pij, dij,
                     params["radial_s"].T, params["radial_p"].T, params["radial_d"].T)

    zeros = jnp.zeros((N, F), jnp.float32)
    idx_i = idx_i.reshape(NC * NS, NCHUNK, CHUNK, EB)
    idx_j = idx_j.reshape(NC * NS, NCHUNK, CHUNK, EB)

    planes = _make_sc_all()(tables, coeffs, idx_i, idx_j, zeros)

    out = _combine(xx, planes, params["projection_p"].T, params["projection_d"].T,
                   params["resblock"])
    return out

# --- scband reference (transcript-rebuilt; emitter-appended) ---
"""Pipeline reference for scband-local-interaction-17875653886234 (READ-ONLY COPY).

The authoritative reference and input builder live on the scoring server;
editing this copy changes nothing except your own understanding.
"""

import jax, jax.numpy as jnp
import numpy as np

N = 10000
P = 320000
F = 128
NBF = 32
NRES = 1


def swish(x):
    return x * jax.nn.sigmoid(x)


def make_linear(key, fan_in, fan_out, bias=True):
    k1, _ = jax.random.split(key)
    s = 1.0 / np.sqrt(fan_in)
    w = jax.random.normal(k1, (fan_out, fan_in), dtype=jnp.float32) * s
    if bias:
        return {"w": w, "b": jnp.zeros((fan_out,), dtype=jnp.float32)}
    return {"w": w}


def make_resmlp(key, f, nres):
    keys = jax.random.split(key, nres + 1)
    blocks = []
    for i in range(nres):
        kk = jax.random.split(keys[i], 2)
        blocks.append({"lin1": make_linear(kk[0], f, f), "lin2": make_linear(kk[1], f, f)})
    return {"blocks": blocks, "out": make_linear(keys[-1], f, f)}


def resmlp_apply(p, x):
    for blk in p["blocks"]:
        y = swish(x)
        y = y @ blk["lin1"]["w"].T + blk["lin1"]["b"]
        y = swish(y)
        y = y @ blk["lin2"]["w"].T + blk["lin2"]["b"]
        x = x + y
    x = swish(x)
    return x @ p["out"]["w"].T + p["out"]["b"]


def setup_inputs(seed: int = 0):
    key = jax.random.key(seed)
    ks = jax.random.split(key, 16)
    x = jax.random.normal(ks[0], (N, F), dtype=jnp.float32)
    rbf = jax.random.uniform(ks[1], (P, NBF), dtype=jnp.float32)
    pij = jax.random.normal(ks[2], (P, 3), dtype=jnp.float32)
    dij = jax.random.normal(ks[3], (P, 5), dtype=jnp.float32)
    idx_i = jax.random.randint(ks[4], (P,), 0, N, dtype=jnp.int32)
    idx_j = jax.random.randint(ks[5], (P,), 0, N, dtype=jnp.int32)
    params = {
        "radial_s": jax.random.normal(ks[6], (F, NBF), dtype=jnp.float32) / np.sqrt(NBF),
        "radial_p": jax.random.normal(ks[7], (F, NBF), dtype=jnp.float32) / np.sqrt(NBF),
        "radial_d": jax.random.normal(ks[8], (F, NBF), dtype=jnp.float32) / np.sqrt(NBF),
        "projection_p": jax.random.normal(ks[9], (2 * F, F), dtype=jnp.float32) / np.sqrt(F),
        "projection_d": jax.random.normal(ks[10], (2 * F, F), dtype=jnp.float32) / np.sqrt(F),
        "resblock_x": make_resmlp(ks[11], F, NRES),
        "resblock_s": make_resmlp(ks[12], F, NRES),
        "resblock_p": make_resmlp(ks[13], F, NRES),
        "resblock_d": make_resmlp(ks[14], F, NRES),
        "resblock": make_resmlp(ks[15], F, NRES),
    }
    return {"x": x, "rbf": rbf, "pij": pij, "dij": dij, "idx_i": idx_i, "idx_j": idx_j, "params": params}


def reference(x, rbf, pij, dij, idx_i, idx_j, params):
    gs = rbf @ params["radial_s"].T
    gp = (rbf @ params["radial_p"].T)[:, None, :] * pij[:, :, None]
    gd = (rbf @ params["radial_d"].T)[:, None, :] * dij[:, :, None]
    xx = resmlp_apply(params["resblock_x"], x)
    xs = jnp.take(resmlp_apply(params["resblock_s"], x), idx_j, axis=0)
    xp = jnp.take(resmlp_apply(params["resblock_p"], x), idx_j, axis=0)
    xd = jnp.take(resmlp_apply(params["resblock_d"], x), idx_j, axis=0)
    s = xx.at[idx_i].add(gs * xs)
    p = jnp.zeros((x.shape[0], pij.shape[-1], x.shape[-1]), x.dtype).at[idx_i].add(gp * xp[:, None, :])
    d = jnp.zeros((x.shape[0], dij.shape[-1], x.shape[-1]), x.dtype).at[idx_i].add(gd * xd[:, None, :])
    pa, pb = jnp.split(p @ params["projection_p"].T, 2, axis=-1)
    da, db = jnp.split(d @ params["projection_d"].T, 2, axis=-1)
    out = s + (pa * pb).sum(-2) + (da * db).sum(-2)
    return resmlp_apply(params["resblock"], out)

if __name__ == "__main__":
    import jax
    _d = setup_inputs()
    print(jax.jit(kernel)(*tuple(_d.values())))

</pallas_src>

<mosaic_0001>
#map = affine_map<(d0, d1) -> (0, 0, 0)>
#map1 = affine_map<(d0, d1) -> (0, 0, 0, 0)>
#map2 = affine_map<(d0, d1) -> (0, 0)>
module attributes {stable_mosaic.version = 14 : i64} {
  func.func @_sc_all_body(%arg0: i32, %arg1: i32, %arg2: memref<3x10000x128xf32, #tpu.memory_space<hbm>>, %arg3: memref<9x320000x128xf32, #tpu.memory_space<hbm>>, %arg4: memref<32x5x25x80xi32, #tpu.memory_space<hbm>>, %arg5: memref<32x5x25x80xi32, #tpu.memory_space<hbm>>, %arg6: memref<10000x128xf32, #tpu.memory_space<hbm>>, %arg7: memref<9x2x10000x128xf32, #tpu.memory_space<hbm>>, %arg8: memref<10000x128xf32, #tpu.memory_space<vmem_shared>>, %arg9: memref<25x80xi32, #tpu.memory_space<vmem>>, %arg10: memref<25x80xi32, #tpu.memory_space<vmem>>, %arg11: memref<2x80x128xf32, #tpu.memory_space<vmem>>, %arg12: memref<2x80x128xf32, #tpu.memory_space<vmem>>, %arg13: memref<!tpu.dma_semaphore, #tpu.memory_space<semaphore_mem>>, %arg14: memref<!tpu.dma_semaphore, #tpu.memory_space<semaphore_mem>>) attributes {dimension_semantics = [#tpu.dimension_semantics<core_parallel>, #tpu.dimension_semantics<subcore_parallel>], iteration_bounds = array<i64: 2, 16>, scalar_prefetch = 0 : i64, scratch_operands = 7 : i64, tpu.core_type = #tpu.core_type<sc_vector_subcore>, window_params = [{transform_indices = #map}, {transform_indices = #map}, {transform_indices = #map1}, {transform_indices = #map1}, {transform_indices = #map2}, {transform_indices = #map1}]} {
    %mul3A = arith.constant 16 : i32
    %mul3A_0 = arith.muli %arg0, %mul3A : i32
    %add3A = arith.addi %mul3A_0, %arg1 : i32
    %mul3A_1 = arith.constant 10000 : i32
    %mul3A_2 = arith.muli %add3A, %mul3A_1 : i32
    %scan3A = arith.constant 0 : i32
    %scan3A_3 = arith.constant 0 : i32
    %scan3A_4 = arith.constant 9 : i32
    %scan3A_5 = arith.addi %scan3A_3, %scan3A_4 : i32
    %scan3A_6 = arith.constant 1 : i32
    scf.for %scan3A_8 = %scan3A_3 to %scan3A_5 step %scan3A_6  : i32 {
      %eq3A = arith.constant 0 : i32
      %eq3A_9 = arith.cmpi eq, %scan3A_8, %eq3A : i32
      %le3A = arith.constant 3 : i32
      %le3A_10 = arith.cmpi sle, %scan3A_8, %le3A : i32
      %jit3A = arith.constant 1 : i32
      %jit3A_11 = arith.constant 2 : i32
      %select_n3A = arith.select %le3A_10, %jit3A, %jit3A_11 : i32
      %jit3A_12 = arith.constant 0 : i32
      %select_n3A_13 = arith.select %eq3A_9, %jit3A_12, %select_n3A : i32
      %eq3A_14 = arith.constant 0 : i32
      %eq3A_15 = arith.cmpi eq, %arg1, %eq3A_14 : i32
      %convert_element_type3A = arith.extui %eq3A_15 : i1 to i32
      %cond3A = arith.constant 0 : i32
      %cond3A_16 = arith.cmpi ne, %convert_element_type3A, %cond3A : i32
      scf.if %cond3A_16 {
        "tpu.region"() ({
          %run_scoped3A = tpu.sem_alloc : memref<!tpu.dma_semaphore, #tpu.memory_space<semaphore_mem>>
          tpu.enqueue_dma source(%arg6 : memref<10000x128xf32, #tpu.memory_space<hbm>>) target(%arg8 : memref<10000x128xf32, #tpu.memory_space<vmem_shared>>) target_semaphore(%run_scoped3A : memref<!tpu.dma_semaphore, #tpu.memory_space<semaphore_mem>>)
          tpu.wait_dma2 semaphore(%run_scoped3A : memref<!tpu.dma_semaphore, #tpu.memory_space<semaphore_mem>>) src(%arg6 : memref<10000x128xf32, #tpu.memory_space<hbm>>) dst(%arg8 : memref<10000x128xf32, #tpu.memory_space<vmem_shared>>)
          tpu.yield
        }) : () -> ()
      } else {
      }
      %barrier3A = arith.constant 0 : index
      tpu.barrier barrier_id(%barrier3A)
      %scan3A_17 = arith.constant 0 : i32
      %scan3A_18 = arith.constant 0 : i32
      %scan3A_19 = arith.constant 5 : i32
      %scan3A_20 = arith.addi %scan3A_18, %scan3A_19 : i32
      %scan3A_21 = arith.constant 1 : i32
      scf.for %scan3A_34 = %scan3A_18 to %scan3A_20 step %scan3A_21  : i32 {
        %mul3A_35 = arith.constant 25 : i32
        %mul3A_36 = arith.muli %scan3A_34, %mul3A_35 : i32
        %mul3A_37 = arith.constant 80 : i32
        %mul3A_38 = arith.muli %mul3A_36, %mul3A_37 : i32
        %add3A_39 = arith.addi %mul3A_2, %mul3A_38 : i32
        "tpu.region"() ({
          %run_scoped3A_118 = tpu.sem_alloc : memref<!tpu.dma_semaphore, #tpu.memory_space<semaphore_mem>>
          %dma_start3A_119 = arith.constant 0 : i32
          %dma_start3A_120 = arith.constant 0 : i32
          %dma_start3A_121 = tpu.memref_slice %arg4[%add3A, %scan3A_34, %dma_start3A_119, %dma_start3A_120] : memref<32x5x25x80xi32, #tpu.memory_space<hbm>> -> memref<1x1x25x80xi32, #tpu.memory_space<hbm>>
          %dma_start3A_122 = tpu.memref_squeeze %dma_start3A_121 : memref<1x1x25x80xi32, #tpu.memory_space<hbm>> -> memref<25x80xi32, #tpu.memory_space<hbm>>
          %dma_start3A_123 = arith.constant 0 : i32
          %dma_start3A_124 = arith.constant 0 : i32
          %dma_start3A_125 = tpu.memref_slice %arg4[%add3A, %scan3A_34, %dma_start3A_123, %dma_start3A_124] : memref<32x5x25x80xi32, #tpu.memory_space<hbm>> -> memref<1x1x25x80xi32, #tpu.memory_space<hbm>>
          %dma_start3A_126 = tpu.memref_squeeze %dma_start3A_125 : memref<1x1x25x80xi32, #tpu.memory_space<hbm>> -> memref<25x80xi32, #tpu.memory_space<hbm>>
          tpu.enqueue_dma source(%dma_start3A_126 : memref<25x80xi32, #tpu.memory_space<hbm>>) target(%arg9 : memref<25x80xi32, #tpu.memory_space<vmem>>) target_semaphore(%run_scoped3A_118 : memref<!tpu.dma_semaphore, #tpu.memory_space<semaphore_mem>>)
          %dma_wait3A_127 = arith.constant 0 : i32
          %dma_wait3A_128 = arith.constant 0 : i32
          %dma_wait3A_129 = tpu.memref_slice %arg4[%add3A, %scan3A_34, %dma_wait3A_127, %dma_wait3A_128] : memref<32x5x25x80xi32, #tpu.memory_space<hbm>> -> memref<1x1x25x80xi32, #tpu.memory_space<hbm>>
          %dma_wait3A_130 = tpu.memref_squeeze %dma_wait3A_129 : memref<1x1x25x80xi32, #tpu.memory_space<hbm>> -> memref<25x80xi32, #tpu.memory_space<hbm>>
          %dma_wait3A_131 = arith.constant 0 : i32
          %dma_wait3A_132 = arith.constant 0 : i32
          %dma_wait3A_133 = tpu.memref_slice %arg4[%add3A, %scan3A_34, %dma_wait3A_131, %dma_wait3A_132] : memref<32x5x25x80xi32, #tpu.memory_space<hbm>> -> memref<1x1x25x80xi32, #tpu.memory_space<hbm>>
          %dma_wait3A_134 = tpu.memref_squeeze %dma_wait3A_133 : memref<1x1x25x80xi32, #tpu.memory_space<hbm>> -> memref<25x80xi32, #tpu.memory_space<hbm>>
          tpu.wait_dma2 semaphore(%run_scoped3A_118 : memref<!tpu.dma_semaphore, #tpu.memory_space<semaphore_mem>>) src(%dma_wait3A_134 : memref<25x80xi32, #tpu.memory_space<hbm>>) dst(%arg9 : memref<25x80xi32, #tpu.memory_space<vmem>>)
          tpu.yield
        }) : () -> ()
        "tpu.region"() ({
          %run_scoped3A_118 = tpu.sem_alloc : memref<!tpu.dma_semaphore, #tpu.memory_space<semaphore_mem>>
          %dma_start3A_119 = arith.constant 0 : i32
          %dma_start3A_120 = arith.constant 0 : i32
          %dma_start3A_121 = tpu.memref_slice %arg5[%add3A, %scan3A_34, %dma_start3A_119, %dma_start3A_120] : memref<32x5x25x80xi32, #tpu.memory_space<hbm>> -> memref<1x1x25x80xi32, #tpu.memory_space<hbm>>
          %dma_start3A_122 = tpu.memref_squeeze %dma_start3A_121 : memref<1x1x25x80xi32, #tpu.memory_space<hbm>> -> memref<25x80xi32, #tpu.memory_space<hbm>>
          %dma_start3A_123 = arith.constant 0 : i32
          %dma_start3A_124 = arith.constant 0 : i32
          %dma_start3A_125 = tpu.memref_slice %arg5[%add3A, %scan3A_34, %dma_start3A_123, %dma_start3A_124] : memref<32x5x25x80xi32, #tpu.memory_space<hbm>> -> memref<1x1x25x80xi32, #tpu.memory_space<hbm>>
          %dma_start3A_126 = tpu.memref_squeeze %dma_start3A_125 : memref<1x1x25x80xi32, #tpu.memory_space<hbm>> -> memref<25x80xi32, #tpu.memory_space<hbm>>
          tpu.enqueue_dma source(%dma_start3A_126 : memref<25x80xi32, #tpu.memory_space<hbm>>) target(%arg10 : memref<25x80xi32, #tpu.memory_space<vmem>>) target_semaphore(%run_scoped3A_118 : memref<!tpu.dma_semaphore, #tpu.memory_space<semaphore_mem>>)
          %dma_wait3A_127 = arith.constant 0 : i32
          %dma_wait3A_128 = arith.constant 0 : i32
          %dma_wait3A_129 = tpu.memref_slice %arg5[%add3A, %scan3A_34, %dma_wait3A_127, %dma_wait3A_128] : memref<32x5x25x80xi32, #tpu.memory_space<hbm>> -> memref<1x1x25x80xi32, #tpu.memory_space<hbm>>
          %dma_wait3A_130 = tpu.memref_squeeze %dma_wait3A_129 : memref<1x1x25x80xi32, #tpu.memory_space<hbm>> -> memref<25x80xi32, #tpu.memory_space<hbm>>
          %dma_wait3A_131 = arith.constant 0 : i32
          %dma_wait3A_132 = arith.constant 0 : i32
          %dma_wait3A_133 = tpu.memref_slice %arg5[%add3A, %scan3A_34, %dma_wait3A_131, %dma_wait3A_132] : memref<32x5x25x80xi32, #tpu.memory_space<hbm>> -> memref<1x1x25x80xi32, #tpu.memory_space<hbm>>
          %dma_wait3A_134 = tpu.memref_squeeze %dma_wait3A_133 : memref<1x1x25x80xi32, #tpu.memory_space<hbm>> -> memref<25x80xi32, #tpu.memory_space<hbm>>
          tpu.wait_dma2 semaphore(%run_scoped3A_118 : memref<!tpu.dma_semaphore, #tpu.memory_space<semaphore_mem>>) src(%dma_wait3A_134 : memref<25x80xi32, #tpu.memory_space<hbm>>) dst(%arg10 : memref<25x80xi32, #tpu.memory_space<vmem>>)
          tpu.yield
        }) : () -> ()
        %dma_start3A = arith.constant 0 : i32
        %dma_start3A_40 = arith.constant 0 : i32
        %dma_start3A_41 = arith.constant 0 : i32
        %dma_start3A_42 = arith.constant 0 : i32
        %dma_start3A_43 = tpu.memref_slice %arg11[%dma_start3A_40, %dma_start3A_41, %dma_start3A_42] : memref<2x80x128xf32, #tpu.memory_space<vmem>> -> memref<1x80x128xf32, #tpu.memory_space<vmem>>
        %dma_start3A_44 = tpu.memref_squeeze %dma_start3A_43 : memref<1x80x128xf32, #tpu.memory_space<vmem>> -> memref<80x128xf32, #tpu.memory_space<vmem>>
        %dma_start3A_45 = arith.constant 0 : i32
        %dma_start3A_46 = tpu.memref_slice %arg10[%dma_start3A, %dma_start3A_45] : memref<25x80xi32, #tpu.memory_space<vmem>> -> memref<1x80xi32, #tpu.memory_space<vmem>>
        %dma_start3A_47 = tpu.memref_squeeze %dma_start3A_46 : memref<1x80xi32, #tpu.memory_space<vmem>> -> memref<80xi32, #tpu.memory_space<vmem>>
        %dma_start3A_48 = arith.constant 0 : i32
        %dma_start3A_49 = arith.constant 0 : i32
        %dma_start3A_50 = tpu.memref_slice %arg2[%select_n3A_13, %dma_start3A_48, %dma_start3A_49] : memref<3x10000x128xf32, #tpu.memory_space<hbm>> -> memref<1x10000x128xf32, #tpu.memory_space<hbm>>
        %dma_start3A_51 = tpu.memref_squeeze %dma_start3A_50 : memref<1x10000x128xf32, #tpu.memory_space<hbm>> -> memref<10000x128xf32, #tpu.memory_space<hbm>>
        %dma_start3A_52 = arith.constant 0 : i32
        %dma_start3A_53 = arith.constant 0 : i32
        %dma_start3A_54 = tpu.memref_slice %dma_start3A_51[%dma_start3A_52, %dma_start3A_53] : memref<10000x128xf32, #tpu.memory_space<hbm>> -> memref<10000x128xf32, #tpu.memory_space<hbm>>
        tpu.enqueue_indirect_dma source(%dma_start3A_54 : memref<10000x128xf32, #tpu.memory_space<hbm>>) target(%dma_start3A_44 : memref<80x128xf32, #tpu.memory_space<vmem>>) offsets(%dma_start3A_47 : memref<80xi32, #tpu.memory_space<vmem>>) semaphore(%arg13 : memref<!tpu.dma_semaphore, #tpu.memory_space<semaphore_mem>>)
        %add3A_55 = arith.constant 0 : i32
        %add3A_56 = arith.addi %add3A_39, %add3A_55 : i32
        %dma_start3A_57 = arith.constant 0 : i32
        %dma_start3A_58 = arith.constant 0 : i32
        %dma_start3A_59 = arith.constant 0 : i32
        %dma_start3A_60 = tpu.memref_slice %arg12[%dma_start3A_57, %dma_start3A_58, %dma_start3A_59] : memref<2x80x128xf32, #tpu.memory_space<vmem>> -> memref<1x80x128xf32, #tpu.memory_space<vmem>>
        %dma_start3A_61 = tpu.memref_squeeze %dma_start3A_60 : memref<1x80x128xf32, #tpu.memory_space<vmem>> -> memref<80x128xf32, #tpu.memory_space<vmem>>
        %dma_start3A_62 = arith.constant 0 : i32
        %dma_start3A_63 = tpu.memref_slice %arg3[%scan3A_8, %add3A_56, %dma_start3A_62] : memref<9x320000x128xf32, #tpu.memory_space<hbm>> -> memref<1x80x128xf32, #tpu.memory_space<hbm>>
        %dma_start3A_64 = tpu.memref_squeeze %dma_start3A_63 : memref<1x80x128xf32, #tpu.memory_space<hbm>> -> memref<80x128xf32, #tpu.memory_space<hbm>>
        %dma_start3A_65 = arith.constant 0 : i32
        %dma_start3A_66 = arith.constant 0 : i32
        %dma_start3A_67 = tpu.memref_slice %arg12[%dma_start3A_57, %dma_start3A_65, %dma_start3A_66] : memref<2x80x128xf32, #tpu.memory_space<vmem>> -> memref<1x80x128xf32, #tpu.memory_space<vmem>>
        %dma_start3A_68 = tpu.memref_squeeze %dma_start3A_67 : memref<1x80x128xf32, #tpu.memory_space<vmem>> -> memref<80x128xf32, #tpu.memory_space<vmem>>
        %dma_start3A_69 = arith.constant 0 : i32
        %dma_start3A_70 = tpu.memref_slice %arg3[%scan3A_8, %add3A_56, %dma_start3A_69] : memref<9x320000x128xf32, #tpu.memory_space<hbm>> -> memref<1x80x128xf32, #tpu.memory_space<hbm>>
        %dma_start3A_71 = tpu.memref_squeeze %dma_start3A_70 : memref<1x80x128xf32, #tpu.memory_space<hbm>> -> memref<80x128xf32, #tpu.memory_space<hbm>>
        tpu.enqueue_dma source(%dma_start3A_71 : memref<80x128xf32, #tpu.memory_space<hbm>>) target(%dma_start3A_68 : memref<80x128xf32, #tpu.memory_space<vmem>>) target_semaphore(%arg13 : memref<!tpu.dma_semaphore, #tpu.memory_space<semaphore_mem>>)
        %scan3A_72 = arith.constant 0 : i32
        %scan3A_73 = arith.constant 0 : i32
        %scan3A_74 = arith.constant 12 : i32
        %scan3A_75 = arith.addi %scan3A_73, %scan3A_74 : i32
        %scan3A_76 = arith.constant 1 : i32
        scf.for %scan3A_118 = %scan3A_73 to %scan3A_75 step %scan3A_76  : i32 {
          %mul3A_119 = arith.constant 2 : i32
          %mul3A_120 = arith.muli %scan3A_118, %mul3A_119 : i32
          %add3A_121 = arith.constant 1 : i32
          %add3A_122 = arith.addi %mul3A_120, %add3A_121 : i32
          %dma_start3A_123 = arith.constant 1 : i32
          %dma_start3A_124 = arith.constant 0 : i32
          %dma_start3A_125 = arith.constant 0 : i32
          %dma_start3A_126 = tpu.memref_slice %arg11[%dma_start3A_123, %dma_start3A_124, %dma_start3A_125] : memref<2x80x128xf32, #tpu.memory_space<vmem>> -> memref<1x80x128xf32, #tpu.memory_space<vmem>>
          %dma_start3A_127 = tpu.memref_squeeze %dma_start3A_126 : memref<1x80x128xf32, #tpu.memory_space<vmem>> -> memref<80x128xf32, #tpu.memory_space<vmem>>
          %dma_start3A_128 = arith.constant 0 : i32
          %dma_start3A_129 = tpu.memref_slice %arg10[%add3A_122, %dma_start3A_128] : memref<25x80xi32, #tpu.memory_space<vmem>> -> memref<1x80xi32, #tpu.memory_space<vmem>>
          %dma_start3A_130 = tpu.memref_squeeze %dma_start3A_129 : memref<1x80xi32, #tpu.memory_space<vmem>> -> memref<80xi32, #tpu.memory_space<vmem>>
          %dma_start3A_131 = arith.constant 0 : i32
          %dma_start3A_132 = arith.constant 0 : i32
          %dma_start3A_133 = tpu.memref_slice %arg2[%select_n3A_13, %dma_start3A_131, %dma_start3A_132] : memref<3x10000x128xf32, #tpu.memory_space<hbm>> -> memref<1x10000x128xf32, #tpu.memory_space<hbm>>
          %dma_start3A_134 = tpu.memref_squeeze %dma_start3A_133 : memref<1x10000x128xf32, #tpu.memory_space<hbm>> -> memref<10000x128xf32, #tpu.memory_space<hbm>>
          %dma_start3A_135 = arith.constant 0 : i32
          %dma_start3A_136 = arith.constant 0 : i32
          %dma_start3A_137 = tpu.memref_slice %dma_start3A_134[%dma_start3A_135, %dma_start3A_136] : memref<10000x128xf32, #tpu.memory_space<hbm>> -> memref<10000x128xf32, #tpu.memory_space<hbm>>
          tpu.enqueue_indirect_dma source(%dma_start3A_137 : memref<10000x128xf32, #tpu.memory_space<hbm>>) target(%dma_start3A_127 : memref<80x128xf32, #tpu.memory_space<vmem>>) offsets(%dma_start3A_130 : memref<80xi32, #tpu.memory_space<vmem>>) semaphore(%arg14 : memref<!tpu.dma_semaphore, #tpu.memory_space<semaphore_mem>>)
          %mul3A_138 = arith.constant 80 : i32
          %mul3A_139 = arith.muli %add3A_122, %mul3A_138 : i32
          %add3A_140 = arith.addi %add3A_39, %mul3A_139 : i32
          %dma_start3A_141 = arith.constant 1 : i32
          %dma_start3A_142 = arith.constant 0 : i32
          %dma_start3A_143 = arith.constant 0 : i32
          %dma_start3A_144 = tpu.memref_slice %arg12[%dma_start3A_141, %dma_start3A_142, %dma_start3A_143] : memref<2x80x128xf32, #tpu.memory_space<vmem>> -> memref<1x80x128xf32, #tpu.memory_space<vmem>>
          %dma_start3A_145 = tpu.memref_squeeze %dma_start3A_144 : memref<1x80x128xf32, #tpu.memory_space<vmem>> -> memref<80x128xf32, #tpu.memory_space<vmem>>
          %dma_start3A_146 = arith.constant 0 : i32
          %dma_start3A_147 = tpu.memref_slice %arg3[%scan3A_8, %add3A_140, %dma_start3A_146] : memref<9x320000x128xf32, #tpu.memory_space<hbm>> -> memref<1x80x128xf32, #tpu.memory_space<hbm>>
          %dma_start3A_148 = tpu.memref_squeeze %dma_start3A_147 : memref<1x80x128xf32, #tpu.memory_space<hbm>> -> memref<80x128xf32, #tpu.memory_space<hbm>>
          %dma_start3A_149 = arith.constant 0 : i32
          %dma_start3A_150 = arith.constant 0 : i32
          %dma_start3A_151 = tpu.memref_slice %arg12[%dma_start3A_141, %dma_start3A_149, %dma_start3A_150] : memref<2x80x128xf32, #tpu.memory_space<vmem>> -> memref<1x80x128xf32, #tpu.memory_space<vmem>>
          %dma_start3A_152 = tpu.memref_squeeze %dma_start3A_151 : memref<1x80x128xf32, #tpu.memory_space<vmem>> -> memref<80x128xf32, #tpu.memory_space<vmem>>
          %dma_start3A_153 = arith.constant 0 : i32
          %dma_start3A_154 = tpu.memref_slice %arg3[%scan3A_8, %add3A_140, %dma_start3A_153] : memref<9x320000x128xf32, #tpu.memory_space<hbm>> -> memref<1x80x128xf32, #tpu.memory_space<hbm>>
          %dma_start3A_155 = tpu.memref_squeeze %dma_start3A_154 : memref<1x80x128xf32, #tpu.memory_space<hbm>> -> memref<80x128xf32, #tpu.memory_space<hbm>>
          tpu.enqueue_dma source(%dma_start3A_155 : memref<80x128xf32, #tpu.memory_space<hbm>>) target(%dma_start3A_152 : memref<80x128xf32, #tpu.memory_space<vmem>>) target_semaphore(%arg14 : memref<!tpu.dma_semaphore, #tpu.memory_space<semaphore_mem>>)
          %dma_wait3A_156 = arith.constant 0 : i32
          %dma_wait3A_157 = arith.constant 0 : i32
          %dma_wait3A_158 = arith.constant 0 : i32
          %dma_wait3A_159 = arith.constant 0 : i32
          %dma_wait3A_160 = tpu.memref_slice %arg11[%dma_wait3A_157, %dma_wait3A_158, %dma_wait3A_159] : memref<2x80x128xf32, #tpu.memory_space<vmem>> -> memref<1x80x128xf32, #tpu.memory_space<vmem>>
          %dma_wait3A_161 = tpu.memref_squeeze %dma_wait3A_160 : memref<1x80x128xf32, #tpu.memory_space<vmem>> -> memref<80x128xf32, #tpu.memory_space<vmem>>
          %dma_wait3A_162 = arith.constant 0 : i32
          %dma_wait3A_163 = tpu.memref_slice %arg10[%mul3A_120, %dma_wait3A_162] : memref<25x80xi32, #tpu.memory_space<vmem>> -> memref<1x80xi32, #tpu.memory_space<vmem>>
          %dma_wait3A_164 = tpu.memref_squeeze %dma_wait3A_163 : memref<1x80xi32, #tpu.memory_space<vmem>> -> memref<80xi32, #tpu.memory_space<vmem>>
          %dma_wait3A_165 = arith.constant 0 : i32
          %dma_wait3A_166 = arith.constant 0 : i32
          %dma_wait3A_167 = tpu.memref_slice %arg2[%dma_wait3A_156, %dma_wait3A_165, %dma_wait3A_166] : memref<3x10000x128xf32, #tpu.memory_space<hbm>> -> memref<1x10000x128xf32, #tpu.memory_space<hbm>>
          %dma_wait3A_168 = tpu.memref_squeeze %dma_wait3A_167 : memref<1x10000x128xf32, #tpu.memory_space<hbm>> -> memref<10000x128xf32, #tpu.memory_space<hbm>>
          %dma_wait3A_169 = arith.constant 0 : i32
          %dma_wait3A_170 = arith.constant 0 : i32
          %dma_wait3A_171 = tpu.memref_slice %dma_wait3A_168[%dma_wait3A_169, %dma_wait3A_170] : memref<10000x128xf32, #tpu.memory_space<hbm>> -> memref<10000x128xf32, #tpu.memory_space<hbm>>
          tpu.wait_indirect_dma semaphore(%arg13 : memref<!tpu.dma_semaphore, #tpu.memory_space<semaphore_mem>>) src(%dma_wait3A_171 : memref<10000x128xf32, #tpu.memory_space<hbm>>) dst(%dma_wait3A_161 : memref<80x128xf32, #tpu.memory_space<vmem>>)
          %mul3A_172 = arith.constant 80 : i32
          %mul3A_173 = arith.muli %mul3A_120, %mul3A_172 : i32
          %add3A_174 = arith.addi %add3A_39, %mul3A_173 : i32
          %dma_wait3A_175 = arith.constant 0 : i32
          %dma_wait3A_176 = arith.constant 0 : i32
          %dma_wait3A_177 = arith.constant 0 : i32
          %dma_wait3A_178 = tpu.memref_slice %arg12[%dma_wait3A_175, %dma_wait3A_176, %dma_wait3A_177] : memref<2x80x128xf32, #tpu.memory_space<vmem>> -> memref<1x80x128xf32, #tpu.memory_space<vmem>>
          %dma_wait3A_179 = tpu.memref_squeeze %dma_wait3A_178 : memref<1x80x128xf32, #tpu.memory_space<vmem>> -> memref<80x128xf32, #tpu.memory_space<vmem>>
          %dma_wait3A_180 = arith.constant 0 : i32
          %dma_wait3A_181 = tpu.memref_slice %arg3[%scan3A_8, %add3A_174, %dma_wait3A_180] : memref<9x320000x128xf32, #tpu.memory_space<hbm>> -> memref<1x80x128xf32, #tpu.memory_space<hbm>>
          %dma_wait3A_182 = tpu.memref_squeeze %dma_wait3A_181 : memref<1x80x128xf32, #tpu.memory_space<hbm>> -> memref<80x128xf32, #tpu.memory_space<hbm>>
          %dma_wait3A_183 = arith.constant 0 : i32
          %dma_wait3A_184 = arith.constant 0 : i32
          %dma_wait3A_185 = tpu.memref_slice %arg12[%dma_wait3A_175, %dma_wait3A_183, %dma_wait3A_184] : memref<2x80x128xf32, #tpu.memory_space<vmem>> -> memref<1x80x128xf32, #tpu.memory_space<vmem>>
          %dma_wait3A_186 = tpu.memref_squeeze %dma_wait3A_185 : memref<1x80x128xf32, #tpu.memory_space<vmem>> -> memref<80x128xf32, #tpu.memory_space<vmem>>
          %dma_wait3A_187 = arith.constant 0 : i32
          %dma_wait3A_188 = tpu.memref_slice %arg3[%scan3A_8, %add3A_174, %dma_wait3A_187] : memref<9x320000x128xf32, #tpu.memory_space<hbm>> -> memref<1x80x128xf32, #tpu.memory_space<hbm>>
          %dma_wait3A_189 = tpu.memref_squeeze %dma_wait3A_188 : memref<1x80x128xf32, #tpu.memory_space<hbm>> -> memref<80x128xf32, #tpu.memory_space<hbm>>
          tpu.wait_dma2 semaphore(%arg13 : memref<!tpu.dma_semaphore, #tpu.memory_space<semaphore_mem>>) src(%dma_wait3A_189 : memref<80x128xf32, #tpu.memory_space<hbm>>) dst(%dma_wait3A_186 : memref<80x128xf32, #tpu.memory_space<vmem>>)
          %scan3A_190 = arith.constant 0 : i32
          %scan3A_191 = arith.constant 0 : i32
          %scan3A_192 = arith.constant 80 : i32
          %scan3A_193 = arith.addi %scan3A_191, %scan3A_192 : i32
          %scan3A_194 = arith.constant 1 : i32
          scf.for %scan3A_275 = %scan3A_191 to %scan3A_193 step %scan3A_194  : i32 {
            %get3A = arith.constant 0 : i32
            %get3A_276 = arith.index_cast %get3A : i32 to index
            %get3A_277 = arith.index_cast %scan3A_275 : i32 to index
            %get3A_278 = arith.constant 0 : index
            %get3A_279 = tpu.vector_load %arg12[%get3A_276, %get3A_277, %get3A_278] {strides = array<i32>} : memref<2x80x128xf32, #tpu.memory_space<vmem>>, vector<1x1x16xf32>,
            %get3A_280 = vector.shape_cast %get3A_279 : vector<1x1x16xf32> to vector<16xf32>
            %get3A_281 = arith.constant 0 : i32
            %get3A_282 = arith.index_cast %get3A_281 : i32 to index
            %get3A_283 = arith.index_cast %scan3A_275 : i32 to index
            %get3A_284 = arith.constant 0 : index
            %get3A_285 = tpu.vector_load %arg11[%get3A_282, %get3A_283, %get3A_284] {strides = array<i32>} : memref<2x80x128xf32, #tpu.memory_space<vmem>>, vector<1x1x16xf32>,
            %get3A_286 = vector.shape_cast %get3A_285 : vector<1x1x16xf32> to vector<16xf32>
            %mul3A_287 = arith.mulf %get3A_280, %get3A_286 : vector<16xf32>
            %swap3A = arith.constant 0 : i32
            %swap3A_288 = arith.index_cast %swap3A : i32 to index
            %swap3A_289 = arith.index_cast %scan3A_275 : i32 to index
            %swap3A_290 = arith.constant 0 : index
            %swap3A_291 = tpu.vector_load %arg11[%swap3A_288, %swap3A_289, %swap3A_290] {strides = array<i32>} : memref<2x80x128xf32, #tpu.memory_space<vmem>>, vector<1x1x16xf32>,
            %swap3A_292 = vector.shape_cast %swap3A_291 : vector<1x1x16xf32> to vector<16xf32>
            %swap3A_293 = vector.shape_cast %mul3A_287 : vector<16xf32> to vector<1x1x16xf32>
            tpu.vector_store %arg11[%swap3A_288, %swap3A_289, %swap3A_290], %swap3A_293 {strides = array<i32>} : memref<2x80x128xf32, #tpu.memory_space<vmem>>, vector<1x1x16xf32>,
            %get3A_294 = arith.constant 0 : i32
            %get3A_295 = arith.index_cast %get3A_294 : i32 to index
            %get3A_296 = arith.index_cast %scan3A_275 : i32 to index
            %get3A_297 = arith.constant 16 : index
            %get3A_298 = tpu.vector_load %arg12[%get3A_295, %get3A_296, %get3A_297] {strides = array<i32>} : memref<2x80x128xf32, #tpu.memory_space<vmem>>, vector<1x1x16xf32>,
            %get3A_299 = vector.shape_cast %get3A_298 : vector<1x1x16xf32> to vector<16xf32>
            %get3A_300 = arith.constant 0 : i32
            %get3A_301 = arith.index_cast %get3A_300 : i32 to index
            %get3A_302 = arith.index_cast %scan3A_275 : i32 to index
            %get3A_303 = arith.constant 16 : index
            %get3A_304 = tpu.vector_load %arg11[%get3A_301, %get3A_302, %get3A_303] {strides = array<i32>} : memref<2x80x128xf32, #tpu.memory_space<vmem>>, vector<1x1x16xf32>,
            %get3A_305 = vector.shape_cast %get3A_304 : vector<1x1x16xf32> to vector<16xf32>
            %mul3A_306 = arith.mulf %get3A_299, %get3A_305 : vector<16xf32>
            %swap3A_307 = arith.constant 0 : i32
            %swap3A_308 = arith.index_cast %swap3A_307 : i32 to index
            %swap3A_309 = arith.index_cast %scan3A_275 : i32 to index
            %swap3A_310 = arith.constant 16 : index
            %swap3A_311 = tpu.vector_load %arg11[%swap3A_308, %swap3A_309, %swap3A_310] {strides = array<i32>} : memref<2x80x128xf32, #tpu.memory_space<vmem>>, vector<1x1x16xf32>,
            %swap3A_312 = vector.shape_cast %swap3A_311 : vector<1x1x16xf32> to vector<16xf32>
            %swap3A_313 = vector.shape_cast %mul3A_306 : vector<16xf32> to vector<1x1x16xf32>
            tpu.vector_store %arg11[%swap3A_308, %swap3A_309, %swap3A_310], %swap3A_313 {strides = array<i32>} : memref<2x80x128xf32, #tpu.memory_space<vmem>>, vector<1x1x16xf32>,
            %get3A_314 = arith.constant 0 : i32
            %get3A_315 = arith.index_cast %get3A_314 : i32 to index
            %get3A_316 = arith.index_cast %scan3A_275 : i32 to index
            %get3A_317 = arith.constant 32 : index
            %get3A_318 = tpu.vector_load %arg12[%get3A_315, %get3A_316, %get3A_317] {strides = array<i32>} : memref<2x80x128xf32, #tpu.memory_space<vmem>>, vector<1x1x16xf32>,
            %get3A_319 = vector.shape_cast %get3A_318 : vector<1x1x16xf32> to vector<16xf32>
            %get3A_320 = arith.constant 0 : i32
            %get3A_321 = arith.index_cast %get3A_320 : i32 to index
            %get3A_322 = arith.index_cast %scan3A_275 : i32 to index
            %get3A_323 = arith.constant 32 : index
            %get3A_324 = tpu.vector_load %arg11[%get3A_321, %get3A_322, %get3A_323] {strides = array<i32>} : memref<2x80x128xf32, #tpu.memory_space<vmem>>, vector<1x1x16xf32>,
            %get3A_325 = vector.shape_cast %get3A_324 : vector<1x1x16xf32> to vector<16xf32>
            %mul3A_326 = arith.mulf %get3A_319, %get3A_325 : vector<16xf32>
            %swap3A_327 = arith.constant 0 : i32
            %swap3A_328 = arith.index_cast %swap3A_327 : i32 to index
            %swap3A_329 = arith.index_cast %scan3A_275 : i32 to index
            %swap3A_330 = arith.constant 32 : index
            %swap3A_331 = tpu.vector_load %arg11[%swap3A_328, %swap3A_329, %swap3A_330] {strides = array<i32>} : memref<2x80x128xf32, #tpu.memory_space<vmem>>, vector<1x1x16xf32>,
            %swap3A_332 = vector.shape_cast %swap3A_331 : vector<1x1x16xf32> to vector<16xf32>
            %swap3A_333 = vector.shape_cast %mul3A_326 : vector<16xf32> to vector<1x1x16xf32>
            tpu.vector_store %arg11[%swap3A_328, %swap3A_329, %swap3A_330], %swap3A_333 {strides = array<i32>} : memref<2x80x128xf32, #tpu.memory_space<vmem>>, vector<1x1x16xf32>,
            %get3A_334 = arith.constant 0 : i32
            %get3A_335 = arith.index_cast %get3A_334 : i32 to index
            %get3A_336 = arith.index_cast %scan3A_275 : i32 to index
            %get3A_337 = arith.constant 48 : index
            %get3A_338 = tpu.vector_load %arg12[%get3A_335, %get3A_336, %get3A_337] {strides = array<i32>} : memref<2x80x128xf32, #tpu.memory_space<vmem>>, vector<1x1x16xf32>,
            %get3A_339 = vector.shape_cast %get3A_338 : vector<1x1x16xf32> to vector<16xf32>
            %get3A_340 = arith.constant 0 : i32
            %get3A_341 = arith.index_cast %get3A_340 : i32 to index
            %get3A_342 = arith.index_cast %scan3A_275 : i32 to index
            %get3A_343 = arith.constant 48 : index
            %get3A_344 = tpu.vector_load %arg11[%get3A_341, %get3A_342, %get3A_343] {strides = array<i32>} : memref<2x80x128xf32, #tpu.memory_space<vmem>>, vector<1x1x16xf32>,
            %get3A_345 = vector.shape_cast %get3A_344 : vector<1x1x16xf32> to vector<16xf32>
            %mul3A_346 = arith.mulf %get3A_339, %get3A_345 : vector<16xf32>
            %swap3A_347 = arith.constant 0 : i32
            %swap3A_348 = arith.index_cast %swap3A_347 : i32 to index
            %swap3A_349 = arith.index_cast %scan3A_275 : i32 to index
            %swap3A_350 = arith.constant 48 : index
            %swap3A_351 = tpu.vector_load %arg11[%swap3A_348, %swap3A_349, %swap3A_350] {strides = array<i32>} : memref<2x80x128xf32, #tpu.memory_space<vmem>>, vector<1x1x16xf32>,
            %swap3A_352 = vector.shape_cast %swap3A_351 : vector<1x1x16xf32> to vector<16xf32>
            %swap3A_353 = vector.shape_cast %mul3A_346 : vector<16xf32> to vector<1x1x16xf32>
            tpu.vector_store %arg11[%swap3A_348, %swap3A_349, %swap3A_350], %swap3A_353 {strides = array<i32>} : memref<2x80x128xf32, #tpu.memory_space<vmem>>, vector<1x1x16xf32>,
            %get3A_354 = arith.constant 0 : i32
            %get3A_355 = arith.index_cast %get3A_354 : i32 to index
            %get3A_356 = arith.index_cast %scan3A_275 : i32 to index
            %get3A_357 = arith.constant 64 : index
            %get3A_358 = tpu.vector_load %arg12[%get3A_355, %get3A_356, %get3A_357] {strides = array<i32>} : memref<2x80x128xf32, #tpu.memory_space<vmem>>, vector<1x1x16xf32>,
            %get3A_359 = vector.shape_cast %get3A_358 : vector<1x1x16xf32> to vector<16xf32>
            %get3A_360 = arith.constant 0 : i32
            %get3A_361 = arith.index_cast %get3A_360 : i32 to index
            %get3A_362 = arith.index_cast %scan3A_275 : i32 to index
            %get3A_363 = arith.constant 64 : index
            %get3A_364 = tpu.vector_load %arg11[%get3A_361, %get3A_362, %get3A_363] {strides = array<i32>} : memref<2x80x128xf32, #tpu.memory_space<vmem>>, vector<1x1x16xf32>,
            %get3A_365 = vector.shape_cast %get3A_364 : vector<1x1x16xf32> to vector<16xf32>
            %mul3A_366 = arith.mulf %get3A_359, %get3A_365 : vector<16xf32>
            %swap3A_367 = arith.constant 0 : i32
            %swap3A_368 = arith.index_cast %swap3A_367 : i32 to index
            %swap3A_369 = arith.index_cast %scan3A_275 : i32 to index
            %swap3A_370 = arith.constant 64 : index
            %swap3A_371 = tpu.vector_load %arg11[%swap3A_368, %swap3A_369, %swap3A_370] {strides = array<i32>} : memref<2x80x128xf32, #tpu.memory_space<vmem>>, vector<1x1x16xf32>,
            %swap3A_372 = vector.shape_cast %swap3A_371 : vector<1x1x16xf32> to vector<16xf32>
            %swap3A_373 = vector.shape_cast %mul3A_366 : vector<16xf32> to vector<1x1x16xf32>
            tpu.vector_store %arg11[%swap3A_368, %swap3A_369, %swap3A_370], %swap3A_373 {strides = array<i32>} : memref<2x80x128xf32, #tpu.memory_space<vmem>>, vector<1x1x16xf32>,
            %get3A_374 = arith.constant 0 : i32
            %get3A_375 = arith.index_cast %get3A_374 : i32 to index
            %get3A_376 = arith.index_cast %scan3A_275 : i32 to index
            %get3A_377 = arith.constant 80 : index
            %get3A_378 = tpu.vector_load %arg12[%get3A_375, %get3A_376, %get3A_377] {strides = array<i32>} : memref<2x80x128xf32, #tpu.memory_space<vmem>>, vector<1x1x16xf32>,
            %get3A_379 = vector.shape_cast %get3A_378 : vector<1x1x16xf32> to vector<16xf32>
            %get3A_380 = arith.constant 0 : i32
            %get3A_381 = arith.index_cast %get3A_380 : i32 to index
            %get3A_382 = arith.index_cast %scan3A_275 : i32 to index
            %get3A_383 = arith.constant 80 : index
            %get3A_384 = tpu.vector_load %arg11[%get3A_381, %get3A_382, %get3A_383] {strides = array<i32>} : memref<2x80x128xf32, #tpu.memory_space<vmem>>, vector<1x1x16xf32>,
            %get3A_385 = vector.shape_cast %get3A_384 : vector<1x1x16xf32> to vector<16xf32>
            %mul3A_386 = arith.mulf %get3A_379, %get3A_385 : vector<16xf32>
            %swap3A_387 = arith.constant 0 : i32
            %swap3A_388 = arith.index_cast %swap3A_387 : i32 to index
            %swap3A_389 = arith.index_cast %scan3A_275 : i32 to index
            %swap3A_390 = arith.constant 80 : index
            %swap3A_391 = tpu.vector_load %arg11[%swap3A_388, %swap3A_389, %swap3A_390] {strides = array<i32>} : memref<2x80x128xf32, #tpu.memory_space<vmem>>, vector<1x1x16xf32>,
            %swap3A_392 = vector.shape_cast %swap3A_391 : vector<1x1x16xf32> to vector<16xf32>
            %swap3A_393 = vector.shape_cast %mul3A_386 : vector<16xf32> to vector<1x1x16xf32>
            tpu.vector_store %arg11[%swap3A_388, %swap3A_389, %swap3A_390], %swap3A_393 {strides = array<i32>} : memref<2x80x128xf32, #tpu.memory_space<vmem>>, vector<1x1x16xf32>,
            %get3A_394 = arith.constant 0 : i32
            %get3A_395 = arith.index_cast %get3A_394 : i32 to index
            %get3A_396 = arith.index_cast %scan3A_275 : i32 to index
            %get3A_397 = arith.constant 96 : index
            %get3A_398 = tpu.vector_load %arg12[%get3A_395, %get3A_396, %get3A_397] {strides = array<i32>} : memref<2x80x128xf32, #tpu.memory_space<vmem>>, vector<1x1x16xf32>,
            %get3A_399 = vector.shape_cast %get3A_398 : vector<1x1x16xf32> to vector<16xf32>
            %get3A_400 = arith.constant 0 : i32
            %get3A_401 = arith.index_cast %get3A_400 : i32 to index
            %get3A_402 = arith.index_cast %scan3A_275 : i32 to index
            %get3A_403 = arith.constant 96 : index
            %get3A_404 = tpu.vector_load %arg11[%get3A_401, %get3A_402, %get3A_403] {strides = array<i32>} : memref<2x80x128xf32, #tpu.memory_space<vmem>>, vector<1x1x16xf32>,
            %get3A_405 = vector.shape_cast %get3A_404 : vector<1x1x16xf32> to vector<16xf32>
            %mul3A_406 = arith.mulf %get3A_399, %get3A_405 : vector<16xf32>
            %swap3A_407 = arith.constant 0 : i32
            %swap3A_408 = arith.index_cast %swap3A_407 : i32 to index
            %swap3A_409 = arith.index_cast %scan3A_275 : i32 to index
            %swap3A_410 = arith.constant 96 : index
            %swap3A_411 = tpu.vector_load %arg11[%swap3A_408, %swap3A_409, %swap3A_410] {strides = array<i32>} : memref<2x80x128xf32, #tpu.memory_space<vmem>>, vector<1x1x16xf32>,
            %swap3A_412 = vector.shape_cast %swap3A_411 : vector<1x1x16xf32> to vector<16xf32>
            %swap3A_413 = vector.shape_cast %mul3A_406 : vector<16xf32> to vector<1x1x16xf32>
            tpu.vector_store %arg11[%swap3A_408, %swap3A_409, %swap3A_410], %swap3A_413 {strides = array<i32>} : memref<2x80x128xf32, #tpu.memory_space<vmem>>, vector<1x1x16xf32>,
            %get3A_414 = arith.constant 0 : i32
            %get3A_415 = arith.index_cast %get3A_414 : i32 to index
            %get3A_416 = arith.index_cast %scan3A_275 : i32 to index
            %get3A_417 = arith.constant 112 : index
            %get3A_418 = tpu.vector_load %arg12[%get3A_415, %get3A_416, %get3A_417] {strides = array<i32>} : memref<2x80x128xf32, #tpu.memory_space<vmem>>, vector<1x1x16xf32>,
            %get3A_419 = vector.shape_cast %get3A_418 : vector<1x1x16xf32> to vector<16xf32>
            %get3A_420 = arith.constant 0 : i32
            %get3A_421 = arith.index_cast %get3A_420 : i32 to index
            %get3A_422 = arith.index_cast %scan3A_275 : i32 to index
            %get3A_423 = arith.constant 112 : index
            %get3A_424 = tpu.vector_load %arg11[%get3A_421, %get3A_422, %get3A_423] {strides = array<i32>} : memref<2x80x128xf32, #tpu.memory_space<vmem>>, vector<1x1x16xf32>,
            %get3A_425 = vector.shape_cast %get3A_424 : vector<1x1x16xf32> to vector<16xf32>
            %mul3A_426 = arith.mulf %get3A_419, %get3A_425 : vector<16xf32>
            %swap3A_427 = arith.constant 0 : i32
            %swap3A_428 = arith.index_cast %swap3A_427 : i32 to index
            %swap3A_429 = arith.index_cast %scan3A_275 : i32 to index
            %swap3A_430 = arith.constant 112 : index
            %swap3A_431 = tpu.vector_load %arg11[%swap3A_428, %swap3A_429, %swap3A_430] {strides = array<i32>} : memref<2x80x128xf32, #tpu.memory_space<vmem>>, vector<1x1x16xf32>,
            %swap3A_432 = vector.shape_cast %swap3A_431 : vector<1x1x16xf32> to vector<16xf32>
            %swap3A_433 = vector.shape_cast %mul3A_426 : vector<16xf32> to vector<1x1x16xf32>
            tpu.vector_store %arg11[%swap3A_428, %swap3A_429, %swap3A_430], %swap3A_433 {strides = array<i32>} : memref<2x80x128xf32, #tpu.memory_space<vmem>>, vector<1x1x16xf32>,
          }
          %scan3A_195 = arith.constant 80 : i32
          %run_scoped3A_196 = arith.constant 0 : i32
          "tpu.region"() ({
            %run_scoped3A_275 = tpu.sem_alloc : memref<!tpu.dma_semaphore, #tpu.memory_space<semaphore_mem>>
            %dma_start3A_276 = arith.constant 0 : i32
            %dma_start3A_277 = arith.constant 0 : i32
            %dma_start3A_278 = tpu.memref_slice %arg11[%run_scoped3A_196, %dma_start3A_276, %dma_start3A_277] : memref<2x80x128xf32, #tpu.memory_space<vmem>> -> memref<1x80x128xf32, #tpu.memory_space<vmem>>
            %dma_start3A_279 = tpu.memref_squeeze %dma_start3A_278 : memref<1x80x128xf32, #tpu.memory_space<vmem>> -> memref<80x128xf32, #tpu.memory_space<vmem>>
            %dma_start3A_280 = arith.constant 0 : i32
            %dma_start3A_281 = tpu.memref_slice %arg9[%mul3A_120, %dma_start3A_280] : memref<25x80xi32, #tpu.memory_space<vmem>> -> memref<1x80xi32, #tpu.memory_space<vmem>>
            %dma_start3A_282 = tpu.memref_squeeze %dma_start3A_281 : memref<1x80xi32, #tpu.memory_space<vmem>> -> memref<80xi32, #tpu.memory_space<vmem>>
            %dma_start3A_283 = arith.constant 0 : i32
            %dma_start3A_284 = arith.constant 0 : i32
            %dma_start3A_285 = tpu.memref_slice %arg8[%dma_start3A_283, %dma_start3A_284] : memref<10000x128xf32, #tpu.memory_space<vmem_shared>> -> memref<10000x128xf32, #tpu.memory_space<vmem_shared>>
            tpu.enqueue_indirect_dma source(%dma_start3A_279 : memref<80x128xf32, #tpu.memory_space<vmem>>) target(%dma_start3A_285 : memref<10000x128xf32, #tpu.memory_space<vmem_shared>>) offsets(%dma_start3A_282 : memref<80xi32, #tpu.memory_space<vmem>>) semaphore(%run_scoped3A_275 : memref<!tpu.dma_semaphore, #tpu.memory_space<semaphore_mem>>) {add = true}
            %dma_wait3A_286 = arith.constant 0 : i32
            %dma_wait3A_287 = arith.constant 0 : i32
            %dma_wait3A_288 = tpu.memref_slice %arg11[%run_scoped3A_196, %dma_wait3A_286, %dma_wait3A_287] : memref<2x80x128xf32, #tpu.memory_space<vmem>> -> memref<1x80x128xf32, #tpu.memory_space<vmem>>
            %dma_wait3A_289 = tpu.memref_squeeze %dma_wait3A_288 : memref<1x80x128xf32, #tpu.memory_space<vmem>> -> memref<80x128xf32, #tpu.memory_space<vmem>>
            %dma_wait3A_290 = arith.constant 0 : i32
            %dma_wait3A_291 = tpu.memref_slice %arg9[%mul3A_120, %dma_wait3A_290] : memref<25x80xi32, #tpu.memory_space<vmem>> -> memref<1x80xi32, #tpu.memory_space<vmem>>
            %dma_wait3A_292 = tpu.memref_squeeze %dma_wait3A_291 : memref<1x80xi32, #tpu.memory_space<vmem>> -> memref<80xi32, #tpu.memory_space<vmem>>
            %dma_wait3A_293 = arith.constant 0 : i32
            %dma_wait3A_294 = arith.constant 0 : i32
            %dma_wait3A_295 = tpu.memref_slice %arg8[%dma_wait3A_293, %dma_wait3A_294] : memref<10000x128xf32, #tpu.memory_space<vmem_shared>> -> memref<10000x128xf32, #tpu.memory_space<vmem_shared>>
            tpu.wait_indirect_dma semaphore(%run_scoped3A_275 : memref<!tpu.dma_semaphore, #tpu.memory_space<semaphore_mem>>) src(%dma_wait3A_289 : memref<80x128xf32, #tpu.memory_space<vmem>>) dst(%dma_wait3A_295 : memref<10000x128xf32, #tpu.memory_space<vmem_shared>>)
            tpu.yield
          }) : () -> ()
          %add3A_197 = arith.constant 2 : i32
          %add3A_198 = arith.addi %mul3A_120, %add3A_197 : i32
          %dma_start3A_199 = arith.constant 0 : i32
          %dma_start3A_200 = arith.constant 0 : i32
          %dma_start3A_201 = arith.constant 0 : i32
          %dma_start3A_202 = tpu.memref_slice %arg11[%dma_start3A_199, %dma_start3A_200, %dma_start3A_201] : memref<2x80x128xf32, #tpu.memory_space<vmem>> -> memref<1x80x128xf32, #tpu.memory_space<vmem>>
          %dma_start3A_203 = tpu.memref_squeeze %dma_start3A_202 : memref<1x80x128xf32, #tpu.memory_space<vmem>> -> memref<80x128xf32, #tpu.memory_space<vmem>>
          %dma_start3A_204 = arith.constant 0 : i32
          %dma_start3A_205 = tpu.memref_slice %arg10[%add3A_198, %dma_start3A_204] : memref<25x80xi32, #tpu.memory_space<vmem>> -> memref<1x80xi32, #tpu.memory_space<vmem>>
          %dma_start3A_206 = tpu.memref_squeeze %dma_start3A_205 : memref<1x80xi32, #tpu.memory_space<vmem>> -> memref<80xi32, #tpu.memory_space<vmem>>
          %dma_start3A_207 = arith.constant 0 : i32
          %dma_start3A_208 = arith.constant 0 : i32
          %dma_start3A_209 = tpu.memref_slice %arg2[%select_n3A_13, %dma_start3A_207, %dma_start3A_208] : memref<3x10000x128xf32, #tpu.memory_space<hbm>> -> memref<1x10000x128xf32, #tpu.memory_space<hbm>>
          %dma_start3A_210 = tpu.memref_squeeze %dma_start3A_209 : memref<1x10000x128xf32, #tpu.memory_space<hbm>> -> memref<10000x128xf32, #tpu.memory_space<hbm>>
          %dma_start3A_211 = arith.constant 0 : i32
          %dma_start3A_212 = arith.constant 0 : i32
          %dma_start3A_213 = tpu.memref_slice %dma_start3A_210[%dma_start3A_211, %dma_start3A_212] : memref<10000x128xf32, #tpu.memory_space<hbm>> -> memref<10000x128xf32, #tpu.memory_space<hbm>>
          tpu.enqueue_indirect_dma source(%dma_start3A_213 : memref<10000x128xf32, #tpu.memory_space<hbm>>) target(%dma_start3A_203 : memref<80x128xf32, #tpu.memory_space<vmem>>) offsets(%dma_start3A_206 : memref<80xi32, #tpu.memory_space<vmem>>) semaphore(%arg13 : memref<!tpu.dma_semaphore, #tpu.memory_space<semaphore_mem>>)
          %mul3A_214 = arith.constant 80 : i32
          %mul3A_215 = arith.muli %add3A_198, %mul3A_214 : i32
          %add3A_216 = arith.addi %add3A_39, %mul3A_215 : i32
          %dma_start3A_217 = arith.constant 0 : i32
          %dma_start3A_218 = arith.constant 0 : i32
          %dma_start3A_219 = arith.constant 0 : i32
          %dma_start3A_220 = tpu.memref_slice %arg12[%dma_start3A_217, %dma_start3A_218, %dma_start3A_219] : memref<2x80x128xf32, #tpu.memory_space<vmem>> -> memref<1x80x128xf32, #tpu.memory_space<vmem>>
          %dma_start3A_221 = tpu.memref_squeeze %dma_start3A_220 : memref<1x80x128xf32, #tpu.memory_space<vmem>> -> memref<80x128xf32, #tpu.memory_space<vmem>>
          %dma_start3A_222 = arith.constant 0 : i32
          %dma_start3A_223 = tpu.memref_slice %arg3[%scan3A_8, %add3A_216, %dma_start3A_222] : memref<9x320000x128xf32, #tpu.memory_space<hbm>> -> memref<1x80x128xf32, #tpu.memory_space<hbm>>
          %dma_start3A_224 = tpu.memref_squeeze %dma_start3A_223 : memref<1x80x128xf32, #tpu.memory_space<hbm>> -> memref<80x128xf32, #tpu.memory_space<hbm>>
          %dma_start3A_225 = arith.constant 0 : i32
          %dma_start3A_226 = arith.constant 0 : i32
          %dma_start3A_227 = tpu.memref_slice %arg12[%dma_start3A_217, %dma_start3A_225, %dma_start3A_226] : memref<2x80x128xf32, #tpu.memory_space<vmem>> -> memref<1x80x128xf32, #tpu.memory_space<vmem>>
          %dma_start3A_228 = tpu.memref_squeeze %dma_start3A_227 : memref<1x80x128xf32, #tpu.memory_space<vmem>> -> memref<80x128xf32, #tpu.memory_space<vmem>>
          %dma_start3A_229 = arith.constant 0 : i32
          %dma_start3A_230 = tpu.memref_slice %arg3[%scan3A_8, %add3A_216, %dma_start3A_229] : memref<9x320000x128xf32, #tpu.memory_space<hbm>> -> memref<1x80x128xf32, #tpu.memory_space<hbm>>
          %dma_start3A_231 = tpu.memref_squeeze %dma_start3A_230 : memref<1x80x128xf32, #tpu.memory_space<hbm>> -> memref<80x128xf32, #tpu.memory_space<hbm>>
          tpu.enqueue_dma source(%dma_start3A_231 : memref<80x128xf32, #tpu.memory_space<hbm>>) target(%dma_start3A_228 : memref<80x128xf32, #tpu.memory_space<vmem>>) target_semaphore(%arg13 : memref<!tpu.dma_semaphore, #tpu.memory_space<semaphore_mem>>)
          %add3A_232 = arith.constant 1 : i32
          %add3A_233 = arith.addi %mul3A_120, %add3A_232 : i32
          %dma_wait3A_234 = arith.constant 0 : i32
          %dma_wait3A_235 = arith.constant 1 : i32
          %dma_wait3A_236 = arith.constant 0 : i32
          %dma_wait3A_237 = arith.constant 0 : i32
          %dma_wait3A_238 = tpu.memref_slice %arg11[%dma_wait3A_235, %dma_wait3A_236, %dma_wait3A_237] : memref<2x80x128xf32, #tpu.memory_space<vmem>> -> memref<1x80x128xf32, #tpu.memory_space<vmem>>
          %dma_wait3A_239 = tpu.memref_squeeze %dma_wait3A_238 : memref<1x80x128xf32, #tpu.memory_space<vmem>> -> memref<80x128xf32, #tpu.memory_space<vmem>>
          %dma_wait3A_240 = arith.constant 0 : i32
          %dma_wait3A_241 = tpu.memref_slice %arg10[%add3A_233, %dma_wait3A_240] : memref<25x80xi32, #tpu.memory_space<vmem>> -> memref<1x80xi32, #tpu.memory_space<vmem>>
          %dma_wait3A_242 = tpu.memref_squeeze %dma_wait3A_241 : memref<1x80xi32, #tpu.memory_space<vmem>> -> memref<80xi32, #tpu.memory_space<vmem>>
          %dma_wait3A_243 = arith.constant 0 : i32
          %dma_wait3A_244 = arith.constant 0 : i32
          %dma_wait3A_245 = tpu.memref_slice %arg2[%dma_wait3A_234, %dma_wait3A_243, %dma_wait3A_244] : memref<3x10000x128xf32, #tpu.memory_space<hbm>> -> memref<1x10000x128xf32, #tpu.memory_space<hbm>>
          %dma_wait3A_246 = tpu.memref_squeeze %dma_wait3A_245 : memref<1x10000x128xf32, #tpu.memory_space<hbm>> -> memref<10000x128xf32, #tpu.memory_space<hbm>>
          %dma_wait3A_247 = arith.constant 0 : i32
          %dma_wait3A_248 = arith.constant 0 : i32
          %dma_wait3A_249 = tpu.memref_slice %dma_wait3A_246[%dma_wait3A_247, %dma_wait3A_248] : memref<10000x128xf32, #tpu.memory_space<hbm>> -> memref<10000x128xf32, #tpu.memory_space<hbm>>
          tpu.wait_indirect_dma semaphore(%arg14 : memref<!tpu.dma_semaphore, #tpu.memory_space<semaphore_mem>>) src(%dma_wait3A_249 : memref<10000x128xf32, #tpu.memory_space<hbm>>) dst(%dma_wait3A_239 : memref<80x128xf32, #tpu.memory_space<vmem>>)
          %mul3A_250 = arith.constant 80 : i32
          %mul3A_251 = arith.muli %add3A_233, %mul3A_250 : i32
          %add3A_252 = arith.addi %add3A_39, %mul3A_251 : i32
          %dma_wait3A_253 = arith.constant 1 : i32
          %dma_wait3A_254 = arith.constant 0 : i32
          %dma_wait3A_255 = arith.constant 0 : i32
          %dma_wait3A_256 = tpu.memref_slice %arg12[%dma_wait3A_253, %dma_wait3A_254, %dma_wait3A_255] : memref<2x80x128xf32, #tpu.memory_space<vmem>> -> memref<1x80x128xf32, #tpu.memory_space<vmem>>
          %dma_wait3A_257 = tpu.memref_squeeze %dma_wait3A_256 : memref<1x80x128xf32, #tpu.memory_space<vmem>> -> memref<80x128xf32, #tpu.memory_space<vmem>>
          %dma_wait3A_258 = arith.constant 0 : i32
          %dma_wait3A_259 = tpu.memref_slice %arg3[%scan3A_8, %add3A_252, %dma_wait3A_258] : memref<9x320000x128xf32, #tpu.memory_space<hbm>> -> memref<1x80x128xf32, #tpu.memory_space<hbm>>
          %dma_wait3A_260 = tpu.memref_squeeze %dma_wait3A_259 : memref<1x80x128xf32, #tpu.memory_space<hbm>> -> memref<80x128xf32, #tpu.memory_space<hbm>>
          %dma_wait3A_261 = arith.constant 0 : i32
          %dma_wait3A_262 = arith.constant 0 : i32
          %dma_wait3A_263 = tpu.memref_slice %arg12[%dma_wait3A_253, %dma_wait3A_261, %dma_wait3A_262] : memref<2x80x128xf32, #tpu.memory_space<vmem>> -> memref<1x80x128xf32, #tpu.memory_space<vmem>>
          %dma_wait3A_264 = tpu.memref_squeeze %dma_wait3A_263 : memref<1x80x128xf32, #tpu.memory_space<vmem>> -> memref<80x128xf32, #tpu.memory_space<vmem>>
          %dma_wait3A_265 = arith.constant 0 : i32
          %dma_wait3A_266 = tpu.memref_slice %arg3[%scan3A_8, %add3A_252, %dma_wait3A_265] : memref<9x320000x128xf32, #tpu.memory_space<hbm>> -> memref<1x80x128xf32, #tpu.memory_space<hbm>>
          %dma_wait3A_267 = tpu.memref_squeeze %dma_wait3A_266 : memref<1x80x128xf32, #tpu.memory_space<hbm>> -> memref<80x128xf32, #tpu.memory_space<hbm>>
          tpu.wait_dma2 semaphore(%arg14 : memref<!tpu.dma_semaphore, #tpu.memory_space<semaphore_mem>>) src(%dma_wait3A_267 : memref<80x128xf32, #tpu.memory_space<hbm>>) dst(%dma_wait3A_264 : memref<80x128xf32, #tpu.memory_space<vmem>>)
          %scan3A_268 = arith.constant 0 : i32
          %scan3A_269 = arith.constant 0 : i32
          %scan3A_270 = arith.constant 80 : i32
          %scan3A_271 = arith.addi %scan3A_269, %scan3A_270 : i32
          %scan3A_272 = arith.constant 1 : i32
          scf.for %scan3A_275 = %scan3A_269 to %scan3A_271 step %scan3A_272  : i32 {
            %get3A = arith.constant 1 : i32
            %get3A_276 = arith.index_cast %get3A : i32 to index
            %get3A_277 = arith.index_cast %scan3A_275 : i32 to index
            %get3A_278 = arith.constant 0 : index
            %get3A_279 = tpu.vector_load %arg12[%get3A_276, %get3A_277, %get3A_278] {strides = array<i32>} : memref<2x80x128xf32, #tpu.memory_space<vmem>>, vector<1x1x16xf32>,
            %get3A_280 = vector.shape_cast %get3A_279 : vector<1x1x16xf32> to vector<16xf32>
            %get3A_281 = arith.constant 1 : i32
            %get3A_282 = arith.index_cast %get3A_281 : i32 to index
            %get3A_283 = arith.index_cast %scan3A_275 : i32 to index
            %get3A_284 = arith.constant 0 : index
            %get3A_285 = tpu.vector_load %arg11[%get3A_282, %get3A_283, %get3A_284] {strides = array<i32>} : memref<2x80x128xf32, #tpu.memory_space<vmem>>, vector<1x1x16xf32>,
            %get3A_286 = vector.shape_cast %get3A_285 : vector<1x1x16xf32> to vector<16xf32>
            %mul3A_287 = arith.mulf %get3A_280, %get3A_286 : vector<16xf32>
            %swap3A = arith.constant 1 : i32
            %swap3A_288 = arith.index_cast %swap3A : i32 to index
            %swap3A_289 = arith.index_cast %scan3A_275 : i32 to index
            %swap3A_290 = arith.constant 0 : index
            %swap3A_291 = tpu.vector_load %arg11[%swap3A_288, %swap3A_289, %swap3A_290] {strides = array<i32>} : memref<2x80x128xf32, #tpu.memory_space<vmem>>, vector<1x1x16xf32>,
            %swap3A_292 = vector.shape_cast %swap3A_291 : vector<1x1x16xf32> to vector<16xf32>
            %swap3A_293 = vector.shape_cast %mul3A_287 : vector<16xf32> to vector<1x1x16xf32>
            tpu.vector_store %arg11[%swap3A_288, %swap3A_289, %swap3A_290], %swap3A_293 {strides = array<i32>} : memref<2x80x128xf32, #tpu.memory_space<vmem>>, vector<1x1x16xf32>,
            %get3A_294 = arith.constant 1 : i32
            %get3A_295 = arith.index_cast %get3A_294 : i32 to index
            %get3A_296 = arith.index_cast %scan3A_275 : i32 to index
            %get3A_297 = arith.constant 16 : index
            %get3A_298 = tpu.vector_load %arg12[%get3A_295, %get3A_296, %get3A_297] {strides = array<i32>} : memref<2x80x128xf32, #tpu.memory_space<vmem>>, vector<1x1x16xf32>,
            %get3A_299 = vector.shape_cast %get3A_298 : vector<1x1x16xf32> to vector<16xf32>
            %get3A_300 = arith.constant 1 : i32
            %get3A_301 = arith.index_cast %get3A_300 : i32 to index
            %get3A_302 = arith.index_cast %scan3A_275 : i32 to index
            %get3A_303 = arith.constant 16 : index
            %get3A_304 = tpu.vector_load %arg11[%get3A_301, %get3A_302, %get3A_303] {strides = array<i32>} : memref<2x80x128xf32, #tpu.memory_space<vmem>>, vector<1x1x16xf32>,
            %get3A_305 = vector.shape_cast %get3A_304 : vector<1x1x16xf32> to vector<16xf32>
            %mul3A_306 = arith.mulf %get3A_299, %get3A_305 : vector<16xf32>
            %swap3A_307 = arith.constant 1 : i32
            %swap3A_308 = arith.index_cast %swap3A_307 : i32 to index
            %swap3A_309 = arith.index_cast %scan3A_275 : i32 to index
            %swap3A_310 = arith.constant 16 : index
            %swap3A_311 = tpu.vector_load %arg11[%swap3A_308, %swap3A_309, %swap3A_310] {strides = array<i32>} : memref<2x80x128xf32, #tpu.memory_space<vmem>>, vector<1x1x16xf32>,
            %swap3A_312 = vector.shape_cast %swap3A_311 : vector<1x1x16xf32> to vector<16xf32>
            %swap3A_313 = vector.shape_cast %mul3A_306 : vector<16xf32> to vector<1x1x16xf32>
            tpu.vector_store %arg11[%swap3A_308, %swap3A_309, %swap3A_310], %swap3A_313 {strides = array<i32>} : memref<2x80x128xf32, #tpu.memory_space<vmem>>, vector<1x1x16xf32>,
            %get3A_314 = arith.constant 1 : i32
            %get3A_315 = arith.index_cast %get3A_314 : i32 to index
            %get3A_316 = arith.index_cast %scan3A_275 : i32 to index
            %get3A_317 = arith.constant 32 : index
            %get3A_318 = tpu.vector_load %arg12[%get3A_315, %get3A_316, %get3A_317] {strides = array<i32>} : memref<2x80x128xf32, #tpu.memory_space<vmem>>, vector<1x1x16xf32>,
            %get3A_319 = vector.shape_cast %get3A_318 : vector<1x1x16xf32> to vector<16xf32>
            %get3A_320 = arith.constant 1 : i32
            %get3A_321 = arith.index_cast %get3A_320 : i32 to index
            %get3A_322 = arith.index_cast %scan3A_275 : i32 to index
            %get3A_323 = arith.constant 32 : index
            %get3A_324 = tpu.vector_load %arg11[%get3A_321, %get3A_322, %get3A_323] {strides = array<i32>} : memref<2x80x128xf32, #tpu.memory_space<vmem>>, vector<1x1x16xf32>,
            %get3A_325 = vector.shape_cast %get3A_324 : vector<1x1x16xf32> to vector<16xf32>
            %mul3A_326 = arith.mulf %get3A_319, %get3A_325 : vector<16xf32>
            %swap3A_327 = arith.constant 1 : i32
            %swap3A_328 = arith.index_cast %swap3A_327 : i32 to index
            %swap3A_329 = arith.index_cast %scan3A_275 : i32 to index
            %swap3A_330 = arith.constant 32 : index
            %swap3A_331 = tpu.vector_load %arg11[%swap3A_328, %swap3A_329, %swap3A_330] {strides = array<i32>} : memref<2x80x128xf32, #tpu.memory_space<vmem>>, vector<1x1x16xf32>,
            %swap3A_332 = vector.shape_cast %swap3A_331 : vector<1x1x16xf32> to vector<16xf32>
            %swap3A_333 = vector.shape_cast %mul3A_326 : vector<16xf32> to vector<1x1x16xf32>
            tpu.vector_store %arg11[%swap3A_328, %swap3A_329, %swap3A_330], %swap3A_333 {strides = array<i32>} : memref<2x80x128xf32, #tpu.memory_space<vmem>>, vector<1x1x16xf32>,
            %get3A_334 = arith.constant 1 : i32
            %get3A_335 = arith.index_cast %get3A_334 : i32 to index
            %get3A_336 = arith.index_cast %scan3A_275 : i32 to index
            %get3A_337 = arith.constant 48 : index
            %get3A_338 = tpu.vector_load %arg12[%get3A_335, %get3A_336, %get3A_337] {strides = array<i32>} : memref<2x80x128xf32, #tpu.memory_space<vmem>>, vector<1x1x16xf32>,
            %get3A_339 = vector.shape_cast %get3A_338 : vector<1x1x16xf32> to vector<16xf32>
            %get3A_340 = arith.constant 1 : i32
            %get3A_341 = arith.index_cast %get3A_340 : i32 to index
            %get3A_342 = arith.index_cast %scan3A_275 : i32 to index
            %get3A_343 = arith.constant 48 : index
            %get3A_344 = tpu.vector_load %arg11[%get3A_341, %get3A_342, %get3A_343] {strides = array<i32>} : memref<2x80x128xf32, #tpu.memory_space<vmem>>, vector<1x1x16xf32>,
            %get3A_345 = vector.shape_cast %get3A_344 : vector<1x1x16xf32> to vector<16xf32>
            %mul3A_346 = arith.mulf %get3A_339, %get3A_345 : vector<16xf32>
            %swap3A_347 = arith.constant 1 : i32
            %swap3A_348 = arith.index_cast %swap3A_347 : i32 to index
            %swap3A_349 = arith.index_cast %scan3A_275 : i32 to index
            %swap3A_350 = arith.constant 48 : index
            %swap3A_351 = tpu.vector_load %arg11[%swap3A_348, %swap3A_349, %swap3A_350] {strides = array<i32>} : memref<2x80x128xf32, #tpu.memory_space<vmem>>, vector<1x1x16xf32>,
            %swap3A_352 = vector.shape_cast %swap3A_351 : vector<1x1x16xf32> to vector<16xf32>
            %swap3A_353 = vector.shape_cast %mul3A_346 : vector<16xf32> to vector<1x1x16xf32>
            tpu.vector_store %arg11[%swap3A_348, %swap3A_349, %swap3A_350], %swap3A_353 {strides = array<i32>} : memref<2x80x128xf32, #tpu.memory_space<vmem>>, vector<1x1x16xf32>,
            %get3A_354 = arith.constant 1 : i32
            %get3A_355 = arith.index_cast %get3A_354 : i32 to index
            %get3A_356 = arith.index_cast %scan3A_275 : i32 to index
            %get3A_357 = arith.constant 64 : index
            %get3A_358 = tpu.vector_load %arg12[%get3A_355, %get3A_356, %get3A_357] {strides = array<i32>} : memref<2x80x128xf32, #tpu.memory_space<vmem>>, vector<1x1x16xf32>,
            %get3A_359 = vector.shape_cast %get3A_358 : vector<1x1x16xf32> to vector<16xf32>
            %get3A_360 = arith.constant 1 : i32
            %get3A_361 = arith.index_cast %get3A_360 : i32 to index
            %get3A_362 = arith.index_cast %scan3A_275 : i32 to index
            %get3A_363 = arith.constant 64 : index
            %get3A_364 = tpu.vector_load %arg11[%get3A_361, %get3A_362, %get3A_363] {strides = array<i32>} : memref<2x80x128xf32, #tpu.memory_space<vmem>>, vector<1x1x16xf32>,
            %get3A_365 = vector.shape_cast %get3A_364 : vector<1x1x16xf32> to vector<16xf32>
            %mul3A_366 = arith.mulf %get3A_359, %get3A_365 : vector<16xf32>
            %swap3A_367 = arith.constant 1 : i32
            %swap3A_368 = arith.index_cast %swap3A_367 : i32 to index
            %swap3A_369 = arith.index_cast %scan3A_275 : i32 to index
            %swap3A_370 = arith.constant 64 : index
            %swap3A_371 = tpu.vector_load %arg11[%swap3A_368, %swap3A_369, %swap3A_370] {strides = array<i32>} : memref<2x80x128xf32, #tpu.memory_space<vmem>>, vector<1x1x16xf32>,
            %swap3A_372 = vector.shape_cast %swap3A_371 : vector<1x1x16xf32> to vector<16xf32>
            %swap3A_373 = vector.shape_cast %mul3A_366 : vector<16xf32> to vector<1x1x16xf32>
            tpu.vector_store %arg11[%swap3A_368, %swap3A_369, %swap3A_370], %swap3A_373 {strides = array<i32>} : memref<2x80x128xf32, #tpu.memory_space<vmem>>, vector<1x1x16xf32>,
            %get3A_374 = arith.constant 1 : i32
            %get3A_375 = arith.index_cast %get3A_374 : i32 to index
            %get3A_376 = arith.index_cast %scan3A_275 : i32 to index
            %get3A_377 = arith.constant 80 : index
            %get3A_378 = tpu.vector_load %arg12[%get3A_375, %get3A_376, %get3A_377] {strides = array<i32>} : memref<2x80x128xf32, #tpu.memory_space<vmem>>, vector<1x1x16xf32>,
            %get3A_379 = vector.shape_cast %get3A_378 : vector<1x1x16xf32> to vector<16xf32>
            %get3A_380 = arith.constant 1 : i32
            %get3A_381 = arith.index_cast %get3A_380 : i32 to index
            %get3A_382 = arith.index_cast %scan3A_275 : i32 to index
            %get3A_383 = arith.constant 80 : index
            %get3A_384 = tpu.vector_load %arg11[%get3A_381, %get3A_382, %get3A_383] {strides = array<i32>} : memref<2x80x128xf32, #tpu.memory_space<vmem>>, vector<1x1x16xf32>,
            %get3A_385 = vector.shape_cast %get3A_384 : vector<1x1x16xf32> to vector<16xf32>
            %mul3A_386 = arith.mulf %get3A_379, %get3A_385 : vector<16xf32>
            %swap3A_387 = arith.constant 1 : i32
            %swap3A_388 = arith.index_cast %swap3A_387 : i32 to index
            %swap3A_389 = arith.index_cast %scan3A_275 : i32 to index
            %swap3A_390 = arith.constant 80 : index
            %swap3A_391 = tpu.vector_load %arg11[%swap3A_388, %swap3A_389, %swap3A_390] {strides = array<i32>} : memref<2x80x128xf32, #tpu.memory_space<vmem>>, vector<1x1x16xf32>,
            %swap3A_392 = vector.shape_cast %swap3A_391 : vector<1x1x16xf32> to vector<16xf32>
            %swap3A_393 = vector.shape_cast %mul3A_386 : vector<16xf32> to vector<1x1x16xf32>
            tpu.vector_store %arg11[%swap3A_388, %swap3A_389, %swap3A_390], %swap3A_393 {strides = array<i32>} : memref<2x80x128xf32, #tpu.memory_space<vmem>>, vector<1x1x16xf32>,
            %get3A_394 = arith.constant 1 : i32
            %get3A_395 = arith.index_cast %get3A_394 : i32 to index
            %get3A_396 = arith.index_cast %scan3A_275 : i32 to index
            %get3A_397 = arith.constant 96 : index
            %get3A_398 = tpu.vector_load %arg12[%get3A_395, %get3A_396, %get3A_397] {strides = array<i32>} : memref<2x80x128xf32, #tpu.memory_space<vmem>>, vector<1x1x16xf32>,
            %get3A_399 = vector.shape_cast %get3A_398 : vector<1x1x16xf32> to vector<16xf32>
            %get3A_400 = arith.constant 1 : i32
            %get3A_401 = arith.index_cast %get3A_400 : i32 to index
            %get3A_402 = arith.index_cast %scan3A_275 : i32 to index
            %get3A_403 = arith.constant 96 : index
            %get3A_404 = tpu.vector_load %arg11[%get3A_401, %get3A_402, %get3A_403] {strides = array<i32>} : memref<2x80x128xf32, #tpu.memory_space<vmem>>, vector<1x1x16xf32>,
            %get3A_405 = vector.shape_cast %get3A_404 : vector<1x1x16xf32> to vector<16xf32>
            %mul3A_406 = arith.mulf %get3A_399, %get3A_405 : vector<16xf32>
            %swap3A_407 = arith.constant 1 : i32
            %swap3A_408 = arith.index_cast %swap3A_407 : i32 to index
            %swap3A_409 = arith.index_cast %scan3A_275 : i32 to index
            %swap3A_410 = arith.constant 96 : index
            %swap3A_411 = tpu.vector_load %arg11[%swap3A_408, %swap3A_409, %swap3A_410] {strides = array<i32>} : memref<2x80x128xf32, #tpu.memory_space<vmem>>, vector<1x1x16xf32>,
            %swap3A_412 = vector.shape_cast %swap3A_411 : vector<1x1x16xf32> to vector<16xf32>
            %swap3A_413 = vector.shape_cast %mul3A_406 : vector<16xf32> to vector<1x1x16xf32>
            tpu.vector_store %arg11[%swap3A_408, %swap3A_409, %swap3A_410], %swap3A_413 {strides = array<i32>} : memref<2x80x128xf32, #tpu.memory_space<vmem>>, vector<1x1x16xf32>,
            %get3A_414 = arith.constant 1 : i32
            %get3A_415 = arith.index_cast %get3A_414 : i32 to index
            %get3A_416 = arith.index_cast %scan3A_275 : i32 to index
            %get3A_417 = arith.constant 112 : index
            %get3A_418 = tpu.vector_load %arg12[%get3A_415, %get3A_416, %get3A_417] {strides = array<i32>} : memref<2x80x128xf32, #tpu.memory_space<vmem>>, vector<1x1x16xf32>,
            %get3A_419 = vector.shape_cast %get3A_418 : vector<1x1x16xf32> to vector<16xf32>
            %get3A_420 = arith.constant 1 : i32
            %get3A_421 = arith.index_cast %get3A_420 : i32 to index
            %get3A_422 = arith.index_cast %scan3A_275 : i32 to index
            %get3A_423 = arith.constant 112 : index
            %get3A_424 = tpu.vector_load %arg11[%get3A_421, %get3A_422, %get3A_423] {strides = array<i32>} : memref<2x80x128xf32, #tpu.memory_space<vmem>>, vector<1x1x16xf32>,
            %get3A_425 = vector.shape_cast %get3A_424 : vector<1x1x16xf32> to vector<16xf32>
            %mul3A_426 = arith.mulf %get3A_419, %get3A_425 : vector<16xf32>
            %swap3A_427 = arith.constant 1 : i32
            %swap3A_428 = arith.index_cast %swap3A_427 : i32 to index
            %swap3A_429 = arith.index_cast %scan3A_275 : i32 to index
            %swap3A_430 = arith.constant 112 : index
            %swap3A_431 = tpu.vector_load %arg11[%swap3A_428, %swap3A_429, %swap3A_430] {strides = array<i32>} : memref<2x80x128xf32, #tpu.memory_space<vmem>>, vector<1x1x16xf32>,
            %swap3A_432 = vector.shape_cast %swap3A_431 : vector<1x1x16xf32> to vector<16xf32>
            %swap3A_433 = vector.shape_cast %mul3A_426 : vector<16xf32> to vector<1x1x16xf32>
            tpu.vector_store %arg11[%swap3A_428, %swap3A_429, %swap3A_430], %swap3A_433 {strides = array<i32>} : memref<2x80x128xf32, #tpu.memory_space<vmem>>, vector<1x1x16xf32>,
          }
          %scan3A_273 = arith.constant 80 : i32
          %run_scoped3A_274 = arith.constant 1 : i32
          "tpu.region"() ({
            %run_scoped3A_275 = tpu.sem_alloc : memref<!tpu.dma_semaphore, #tpu.memory_space<semaphore_mem>>
            %dma_start3A_276 = arith.constant 0 : i32
            %dma_start3A_277 = arith.constant 0 : i32
            %dma_start3A_278 = tpu.memref_slice %arg11[%run_scoped3A_274, %dma_start3A_276, %dma_start3A_277] : memref<2x80x128xf32, #tpu.memory_space<vmem>> -> memref<1x80x128xf32, #tpu.memory_space<vmem>>
            %dma_start3A_279 = tpu.memref_squeeze %dma_start3A_278 : memref<1x80x128xf32, #tpu.memory_space<vmem>> -> memref<80x128xf32, #tpu.memory_space<vmem>>
            %dma_start3A_280 = arith.constant 0 : i32
            %dma_start3A_281 = tpu.memref_slice %arg9[%add3A_233, %dma_start3A_280] : memref<25x80xi32, #tpu.memory_space<vmem>> -> memref<1x80xi32, #tpu.memory_space<vmem>>
            %dma_start3A_282 = tpu.memref_squeeze %dma_start3A_281 : memref<1x80xi32, #tpu.memory_space<vmem>> -> memref<80xi32, #tpu.memory_space<vmem>>
            %dma_start3A_283 = arith.constant 0 : i32
            %dma_start3A_284 = arith.constant 0 : i32
            %dma_start3A_285 = tpu.memref_slice %arg8[%dma_start3A_283, %dma_start3A_284] : memref<10000x128xf32, #tpu.memory_space<vmem_shared>> -> memref<10000x128xf32, #tpu.memory_space<vmem_shared>>
            tpu.enqueue_indirect_dma source(%dma_start3A_279 : memref<80x128xf32, #tpu.memory_space<vmem>>) target(%dma_start3A_285 : memref<10000x128xf32, #tpu.memory_space<vmem_shared>>) offsets(%dma_start3A_282 : memref<80xi32, #tpu.memory_space<vmem>>) semaphore(%run_scoped3A_275 : memref<!tpu.dma_semaphore, #tpu.memory_space<semaphore_mem>>) {add = true}
            %dma_wait3A_286 = arith.constant 0 : i32
            %dma_wait3A_287 = arith.constant 0 : i32
            %dma_wait3A_288 = tpu.memref_slice %arg11[%run_scoped3A_274, %dma_wait3A_286, %dma_wait3A_287] : memref<2x80x128xf32, #tpu.memory_space<vmem>> -> memref<1x80x128xf32, #tpu.memory_space<vmem>>
            %dma_wait3A_289 = tpu.memref_squeeze %dma_wait3A_288 : memref<1x80x128xf32, #tpu.memory_space<vmem>> -> memref<80x128xf32, #tpu.memory_space<vmem>>
            %dma_wait3A_290 = arith.constant 0 : i32
            %dma_wait3A_291 = tpu.memref_slice %arg9[%add3A_233, %dma_wait3A_290] : memref<25x80xi32, #tpu.memory_space<vmem>> -> memref<1x80xi32, #tpu.memory_space<vmem>>
            %dma_wait3A_292 = tpu.memref_squeeze %dma_wait3A_291 : memref<1x80xi32, #tpu.memory_space<vmem>> -> memref<80xi32, #tpu.memory_space<vmem>>
            %dma_wait3A_293 = arith.constant 0 : i32
            %dma_wait3A_294 = arith.constant 0 : i32
            %dma_wait3A_295 = tpu.memref_slice %arg8[%dma_wait3A_293, %dma_wait3A_294] : memref<10000x128xf32, #tpu.memory_space<vmem_shared>> -> memref<10000x128xf32, #tpu.memory_space<vmem_shared>>
            tpu.wait_indirect_dma semaphore(%run_scoped3A_275 : memref<!tpu.dma_semaphore, #tpu.memory_space<semaphore_mem>>) src(%dma_wait3A_289 : memref<80x128xf32, #tpu.memory_space<vmem>>) dst(%dma_wait3A_295 : memref<10000x128xf32, #tpu.memory_space<vmem_shared>>)
            tpu.yield
          }) : () -> ()
        }
        %scan3A_77 = arith.constant 12 : i32
        %dma_wait3A = arith.constant 0 : i32
        %dma_wait3A_78 = arith.constant 24 : i32
        %dma_wait3A_79 = arith.constant 0 : i32
        %dma_wait3A_80 = arith.constant 0 : i32
        %dma_wait3A_81 = arith.constant 0 : i32
        %dma_wait3A_82 = tpu.memref_slice %arg11[%dma_wait3A_79, %dma_wait3A_80, %dma_wait3A_81] : memref<2x80x128xf32, #tpu.memory_space<vmem>> -> memref<1x80x128xf32, #tpu.memory_space<vmem>>
        %dma_wait3A_83 = tpu.memref_squeeze %dma_wait3A_82 : memref<1x80x128xf32, #tpu.memory_space<vmem>> -> memref<80x128xf32, #tpu.memory_space<vmem>>
        %dma_wait3A_84 = arith.constant 0 : i32
        %dma_wait3A_85 = tpu.memref_slice %arg10[%dma_wait3A_78, %dma_wait3A_84] : memref<25x80xi32, #tpu.memory_space<vmem>> -> memref<1x80xi32, #tpu.memory_space<vmem>>
        %dma_wait3A_86 = tpu.memref_squeeze %dma_wait3A_85 : memref<1x80xi32, #tpu.memory_space<vmem>> -> memref<80xi32, #tpu.memory_space<vmem>>
        %dma_wait3A_87 = arith.constant 0 : i32
        %dma_wait3A_88 = arith.constant 0 : i32
        %dma_wait3A_89 = tpu.memref_slice %arg2[%dma_wait3A, %dma_wait3A_87, %dma_wait3A_88] : memref<3x10000x128xf32, #tpu.memory_space<hbm>> -> memref<1x10000x128xf32, #tpu.memory_space<hbm>>
        %dma_wait3A_90 = tpu.memref_squeeze %dma_wait3A_89 : memref<1x10000x128xf32, #tpu.memory_space<hbm>> -> memref<10000x128xf32, #tpu.memory_space<hbm>>
        %dma_wait3A_91 = arith.constant 0 : i32
        %dma_wait3A_92 = arith.constant 0 : i32
        %dma_wait3A_93 = tpu.memref_slice %dma_wait3A_90[%dma_wait3A_91, %dma_wait3A_92] : memref<10000x128xf32, #tpu.memory_space<hbm>> -> memref<10000x128xf32, #tpu.memory_space<hbm>>
        tpu.wait_indirect_dma semaphore(%arg13 : memref<!tpu.dma_semaphore, #tpu.memory_space<semaphore_mem>>) src(%dma_wait3A_93 : memref<10000x128xf32, #tpu.memory_space<hbm>>) dst(%dma_wait3A_83 : memref<80x128xf32, #tpu.memory_space<vmem>>)
        %add3A_94 = arith.constant 1920 : i32
        %add3A_95 = arith.addi %add3A_39, %add3A_94 : i32
        %dma_wait3A_96 = arith.constant 0 : i32
        %dma_wait3A_97 = arith.constant 0 : i32
        %dma_wait3A_98 = arith.constant 0 : i32
        %dma_wait3A_99 = tpu.memref_slice %arg12[%dma_wait3A_96, %dma_wait3A_97, %dma_wait3A_98] : memref<2x80x128xf32, #tpu.memory_space<vmem>> -> memref<1x80x128xf32, #tpu.memory_space<vmem>>
        %dma_wait3A_100 = tpu.memref_squeeze %dma_wait3A_99 : memref<1x80x128xf32, #tpu.memory_space<vmem>> -> memref<80x128xf32, #tpu.memory_space<vmem>>
        %dma_wait3A_101 = arith.constant 0 : i32
        %dma_wait3A_102 = tpu.memref_slice %arg3[%scan3A_8, %add3A_95, %dma_wait3A_101] : memref<9x320000x128xf32, #tpu.memory_space<hbm>> -> memref<1x80x128xf32, #tpu.memory_space<hbm>>
        %dma_wait3A_103 = tpu.memref_squeeze %dma_wait3A_102 : memref<1x80x128xf32, #tpu.memory_space<hbm>> -> memref<80x128xf32, #tpu.memory_space<hbm>>
        %dma_wait3A_104 = arith.constant 0 : i32
        %dma_wait3A_105 = arith.constant 0 : i32
        %dma_wait3A_106 = tpu.memref_slice %arg12[%dma_wait3A_96, %dma_wait3A_104, %dma_wait3A_105] : memref<2x80x128xf32, #tpu.memory_space<vmem>> -> memref<1x80x128xf32, #tpu.memory_space<vmem>>
        %dma_wait3A_107 = tpu.memref_squeeze %dma_wait3A_106 : memref<1x80x128xf32, #tpu.memory_space<vmem>> -> memref<80x128xf32, #tpu.memory_space<vmem>>
        %dma_wait3A_108 = arith.constant 0 : i32
        %dma_wait3A_109 = tpu.memref_slice %arg3[%scan3A_8, %add3A_95, %dma_wait3A_108] : memref<9x320000x128xf32, #tpu.memory_space<hbm>> -> memref<1x80x128xf32, #tpu.memory_space<hbm>>
        %dma_wait3A_110 = tpu.memref_squeeze %dma_wait3A_109 : memref<1x80x128xf32, #tpu.memory_space<hbm>> -> memref<80x128xf32, #tpu.memory_space<hbm>>
        tpu.wait_dma2 semaphore(%arg13 : memref<!tpu.dma_semaphore, #tpu.memory_space<semaphore_mem>>) src(%dma_wait3A_110 : memref<80x128xf32, #tpu.memory_space<hbm>>) dst(%dma_wait3A_107 : memref<80x128xf32, #tpu.memory_space<vmem>>)
        %scan3A_111 = arith.constant 0 : i32
        %scan3A_112 = arith.constant 0 : i32
        %scan3A_113 = arith.constant 80 : i32
        %scan3A_114 = arith.addi %scan3A_112, %scan3A_113 : i32
        %scan3A_115 = arith.constant 1 : i32
        scf.for %scan3A_118 = %scan3A_112 to %scan3A_114 step %scan3A_115  : i32 {
          %get3A = arith.constant 0 : i32
          %get3A_119 = arith.index_cast %get3A : i32 to index
          %get3A_120 = arith.index_cast %scan3A_118 : i32 to index
          %get3A_121 = arith.constant 0 : index
          %get3A_122 = tpu.vector_load %arg12[%get3A_119, %get3A_120, %get3A_121] {strides = array<i32>} : memref<2x80x128xf32, #tpu.memory_space<vmem>>, vector<1x1x16xf32>,
          %get3A_123 = vector.shape_cast %get3A_122 : vector<1x1x16xf32> to vector<16xf32>
          %get3A_124 = arith.constant 0 : i32
          %get3A_125 = arith.index_cast %get3A_124 : i32 to index
          %get3A_126 = arith.index_cast %scan3A_118 : i32 to index
          %get3A_127 = arith.constant 0 : index
          %get3A_128 = tpu.vector_load %arg11[%get3A_125, %get3A_126, %get3A_127] {strides = array<i32>} : memref<2x80x128xf32, #tpu.memory_space<vmem>>, vector<1x1x16xf32>,
          %get3A_129 = vector.shape_cast %get3A_128 : vector<1x1x16xf32> to vector<16xf32>
          %mul3A_130 = arith.mulf %get3A_123, %get3A_129 : vector<16xf32>
          %swap3A = arith.constant 0 : i32
          %swap3A_131 = arith.index_cast %swap3A : i32 to index
          %swap3A_132 = arith.index_cast %scan3A_118 : i32 to index
          %swap3A_133 = arith.constant 0 : index
          %swap3A_134 = tpu.vector_load %arg11[%swap3A_131, %swap3A_132, %swap3A_133] {strides = array<i32>} : memref<2x80x128xf32, #tpu.memory_space<vmem>>, vector<1x1x16xf32>,
          %swap3A_135 = vector.shape_cast %swap3A_134 : vector<1x1x16xf32> to vector<16xf32>
          %swap3A_136 = vector.shape_cast %mul3A_130 : vector<16xf32> to vector<1x1x16xf32>
          tpu.vector_store %arg11[%swap3A_131, %swap3A_132, %swap3A_133], %swap3A_136 {strides = array<i32>} : memref<2x80x128xf32, #tpu.memory_space<vmem>>, vector<1x1x16xf32>,
          %get3A_137 = arith.constant 0 : i32
          %get3A_138 = arith.index_cast %get3A_137 : i32 to index
          %get3A_139 = arith.index_cast %scan3A_118 : i32 to index
          %get3A_140 = arith.constant 16 : index
          %get3A_141 = tpu.vector_load %arg12[%get3A_138, %get3A_139, %get3A_140] {strides = array<i32>} : memref<2x80x128xf32, #tpu.memory_space<vmem>>, vector<1x1x16xf32>,
          %get3A_142 = vector.shape_cast %get3A_141 : vector<1x1x16xf32> to vector<16xf32>
          %get3A_143 = arith.constant 0 : i32
          %get3A_144 = arith.index_cast %get3A_143 : i32 to index
          %get3A_145 = arith.index_cast %scan3A_118 : i32 to index
          %get3A_146 = arith.constant 16 : index
          %get3A_147 = tpu.vector_load %arg11[%get3A_144, %get3A_145, %get3A_146] {strides = array<i32>} : memref<2x80x128xf32, #tpu.memory_space<vmem>>, vector<1x1x16xf32>,
          %get3A_148 = vector.shape_cast %get3A_147 : vector<1x1x16xf32> to vector<16xf32>
          %mul3A_149 = arith.mulf %get3A_142, %get3A_148 : vector<16xf32>
          %swap3A_150 = arith.constant 0 : i32
          %swap3A_151 = arith.index_cast %swap3A_150 : i32 to index
          %swap3A_152 = arith.index_cast %scan3A_118 : i32 to index
          %swap3A_153 = arith.constant 16 : index
          %swap3A_154 = tpu.vector_load %arg11[%swap3A_151, %swap3A_152, %swap3A_153] {strides = array<i32>} : memref<2x80x128xf32, #tpu.memory_space<vmem>>, vector<1x1x16xf32>,
          %swap3A_155 = vector.shape_cast %swap3A_154 : vector<1x1x16xf32> to vector<16xf32>
          %swap3A_156 = vector.shape_cast %mul3A_149 : vector<16xf32> to vector<1x1x16xf32>
          tpu.vector_store %arg11[%swap3A_151, %swap3A_152, %swap3A_153], %swap3A_156 {strides = array<i32>} : memref<2x80x128xf32, #tpu.memory_space<vmem>>, vector<1x1x16xf32>,
          %get3A_157 = arith.constant 0 : i32
          %get3A_158 = arith.index_cast %get3A_157 : i32 to index
          %get3A_159 = arith.index_cast %scan3A_118 : i32 to index
          %get3A_160 = arith.constant 32 : index
          %get3A_161 = tpu.vector_load %arg12[%get3A_158, %get3A_159, %get3A_160] {strides = array<i32>} : memref<2x80x128xf32, #tpu.memory_space<vmem>>, vector<1x1x16xf32>,
          %get3A_162 = vector.shape_cast %get3A_161 : vector<1x1x16xf32> to vector<16xf32>
          %get3A_163 = arith.constant 0 : i32
          %get3A_164 = arith.index_cast %get3A_163 : i32 to index
          %get3A_165 = arith.index_cast %scan3A_118 : i32 to index
          %get3A_166 = arith.constant 32 : index
          %get3A_167 = tpu.vector_load %arg11[%get3A_164, %get3A_165, %get3A_166] {strides = array<i32>} : memref<2x80x128xf32, #tpu.memory_space<vmem>>, vector<1x1x16xf32>,
          %get3A_168 = vector.shape_cast %get3A_167 : vector<1x1x16xf32> to vector<16xf32>
          %mul3A_169 = arith.mulf %get3A_162, %get3A_168 : vector<16xf32>
          %swap3A_170 = arith.constant 0 : i32
          %swap3A_171 = arith.index_cast %swap3A_170 : i32 to index
          %swap3A_172 = arith.index_cast %scan3A_118 : i32 to index
          %swap3A_173 = arith.constant 32 : index
          %swap3A_174 = tpu.vector_load %arg11[%swap3A_171, %swap3A_172, %swap3A_173] {strides = array<i32>} : memref<2x80x128xf32, #tpu.memory_space<vmem>>, vector<1x1x16xf32>,
          %swap3A_175 = vector.shape_cast %swap3A_174 : vector<1x1x16xf32> to vector<16xf32>
          %swap3A_176 = vector.shape_cast %mul3A_169 : vector<16xf32> to vector<1x1x16xf32>
          tpu.vector_store %arg11[%swap3A_171, %swap3A_172, %swap3A_173], %swap3A_176 {strides = array<i32>} : memref<2x80x128xf32, #tpu.memory_space<vmem>>, vector<1x1x16xf32>,
          %get3A_177 = arith.constant 0 : i32
          %get3A_178 = arith.index_cast %get3A_177 : i32 to index
          %get3A_179 = arith.index_cast %scan3A_118 : i32 to index
          %get3A_180 = arith.constant 48 : index
          %get3A_181 = tpu.vector_load %arg12[%get3A_178, %get3A_179, %get3A_180] {strides = array<i32>} : memref<2x80x128xf32, #tpu.memory_space<vmem>>, vector<1x1x16xf32>,
          %get3A_182 = vector.shape_cast %get3A_181 : vector<1x1x16xf32> to vector<16xf32>
          %get3A_183 = arith.constant 0 : i32
          %get3A_184 = arith.index_cast %get3A_183 : i32 to index
          %get3A_185 = arith.index_cast %scan3A_118 : i32 to index
          %get3A_186 = arith.constant 48 : index
          %get3A_187 = tpu.vector_load %arg11[%get3A_184, %get3A_185, %get3A_186] {strides = array<i32>} : memref<2x80x128xf32, #tpu.memory_space<vmem>>, vector<1x1x16xf32>,
          %get3A_188 = vector.shape_cast %get3A_187 : vector<1x1x16xf32> to vector<16xf32>
          %mul3A_189 = arith.mulf %get3A_182, %get3A_188 : vector<16xf32>
          %swap3A_190 = arith.constant 0 : i32
          %swap3A_191 = arith.index_cast %swap3A_190 : i32 to index
          %swap3A_192 = arith.index_cast %scan3A_118 : i32 to index
          %swap3A_193 = arith.constant 48 : index
          %swap3A_194 = tpu.vector_load %arg11[%swap3A_191, %swap3A_192, %swap3A_193] {strides = array<i32>} : memref<2x80x128xf32, #tpu.memory_space<vmem>>, vector<1x1x16xf32>,
          %swap3A_195 = vector.shape_cast %swap3A_194 : vector<1x1x16xf32> to vector<16xf32>
          %swap3A_196 = vector.shape_cast %mul3A_189 : vector<16xf32> to vector<1x1x16xf32>
          tpu.vector_store %arg11[%swap3A_191, %swap3A_192, %swap3A_193], %swap3A_196 {strides = array<i32>} : memref<2x80x128xf32, #tpu.memory_space<vmem>>, vector<1x1x16xf32>,
          %get3A_197 = arith.constant 0 : i32
          %get3A_198 = arith.index_cast %get3A_197 : i32 to index
          %get3A_199 = arith.index_cast %scan3A_118 : i32 to index
          %get3A_200 = arith.constant 64 : index
          %get3A_201 = tpu.vector_load %arg12[%get3A_198, %get3A_199, %get3A_200] {strides = array<i32>} : memref<2x80x128xf32, #tpu.memory_space<vmem>>, vector<1x1x16xf32>,
          %get3A_202 = vector.shape_cast %get3A_201 : vector<1x1x16xf32> to vector<16xf32>
          %get3A_203 = arith.constant 0 : i32
          %get3A_204 = arith.index_cast %get3A_203 : i32 to index
          %get3A_205 = arith.index_cast %scan3A_118 : i32 to index
          %get3A_206 = arith.constant 64 : index
          %get3A_207 = tpu.vector_load %arg11[%get3A_204, %get3A_205, %get3A_206] {strides = array<i32>} : memref<2x80x128xf32, #tpu.memory_space<vmem>>, vector<1x1x16xf32>,
          %get3A_208 = vector.shape_cast %get3A_207 : vector<1x1x16xf32> to vector<16xf32>
          %mul3A_209 = arith.mulf %get3A_202, %get3A_208 : vector<16xf32>
          %swap3A_210 = arith.constant 0 : i32
          %swap3A_211 = arith.index_cast %swap3A_210 : i32 to index
          %swap3A_212 = arith.index_cast %scan3A_118 : i32 to index
          %swap3A_213 = arith.constant 64 : index
          %swap3A_214 = tpu.vector_load %arg11[%swap3A_211, %swap3A_212, %swap3A_213] {strides = array<i32>} : memref<2x80x128xf32, #tpu.memory_space<vmem>>, vector<1x1x16xf32>,
          %swap3A_215 = vector.shape_cast %swap3A_214 : vector<1x1x16xf32> to vector<16xf32>
          %swap3A_216 = vector.shape_cast %mul3A_209 : vector<16xf32> to vector<1x1x16xf32>
          tpu.vector_store %arg11[%swap3A_211, %swap3A_212, %swap3A_213], %swap3A_216 {strides = array<i32>} : memref<2x80x128xf32, #tpu.memory_space<vmem>>, vector<1x1x16xf32>,
          %get3A_217 = arith.constant 0 : i32
          %get3A_218 = arith.index_cast %get3A_217 : i32 to index
          %get3A_219 = arith.index_cast %scan3A_118 : i32 to index
          %get3A_220 = arith.constant 80 : index
          %get3A_221 = tpu.vector_load %arg12[%get3A_218, %get3A_219, %get3A_220] {strides = array<i32>} : memref<2x80x128xf32, #tpu.memory_space<vmem>>, vector<1x1x16xf32>,
          %get3A_222 = vector.shape_cast %get3A_221 : vector<1x1x16xf32> to vector<16xf32>
          %get3A_223 = arith.constant 0 : i32
          %get3A_224 = arith.index_cast %get3A_223 : i32 to index
          %get3A_225 = arith.index_cast %scan3A_118 : i32 to index
          %get3A_226 = arith.constant 80 : index
          %get3A_227 = tpu.vector_load %arg11[%get3A_224, %get3A_225, %get3A_226] {strides = array<i32>} : memref<2x80x128xf32, #tpu.memory_space<vmem>>, vector<1x1x16xf32>,
          %get3A_228 = vector.shape_cast %get3A_227 : vector<1x1x16xf32> to vector<16xf32>
          %mul3A_229 = arith.mulf %get3A_222, %get3A_228 : vector<16xf32>
          %swap3A_230 = arith.constant 0 : i32
          %swap3A_231 = arith.index_cast %swap3A_230 : i32 to index
          %swap3A_232 = arith.index_cast %scan3A_118 : i32 to index
          %swap3A_233 = arith.constant 80 : index
          %swap3A_234 = tpu.vector_load %arg11[%swap3A_231, %swap3A_232, %swap3A_233] {strides = array<i32>} : memref<2x80x128xf32, #tpu.memory_space<vmem>>, vector<1x1x16xf32>,
          %swap3A_235 = vector.shape_cast %swap3A_234 : vector<1x1x16xf32> to vector<16xf32>
          %swap3A_236 = vector.shape_cast %mul3A_229 : vector<16xf32> to vector<1x1x16xf32>
          tpu.vector_store %arg11[%swap3A_231, %swap3A_232, %swap3A_233], %swap3A_236 {strides = array<i32>} : memref<2x80x128xf32, #tpu.memory_space<vmem>>, vector<1x1x16xf32>,
          %get3A_237 = arith.constant 0 : i32
          %get3A_238 = arith.index_cast %get3A_237 : i32 to index
          %get3A_239 = arith.index_cast %scan3A_118 : i32 to index
          %get3A_240 = arith.constant 96 : index
          %get3A_241 = tpu.vector_load %arg12[%get3A_238, %get3A_239, %get3A_240] {strides = array<i32>} : memref<2x80x128xf32, #tpu.memory_space<vmem>>, vector<1x1x16xf32>,
          %get3A_242 = vector.shape_cast %get3A_241 : vector<1x1x16xf32> to vector<16xf32>
          %get3A_243 = arith.constant 0 : i32
          %get3A_244 = arith.index_cast %get3A_243 : i32 to index
          %get3A_245 = arith.index_cast %scan3A_118 : i32 to index
          %get3A_246 = arith.constant 96 : index
          %get3A_247 = tpu.vector_load %arg11[%get3A_244, %get3A_245, %get3A_246] {strides = array<i32>} : memref<2x80x128xf32, #tpu.memory_space<vmem>>, vector<1x1x16xf32>,
          %get3A_248 = vector.shape_cast %get3A_247 : vector<1x1x16xf32> to vector<16xf32>
          %mul3A_249 = arith.mulf %get3A_242, %get3A_248 : vector<16xf32>
          %swap3A_250 = arith.constant 0 : i32
          %swap3A_251 = arith.index_cast %swap3A_250 : i32 to index
          %swap3A_252 = arith.index_cast %scan3A_118 : i32 to index
          %swap3A_253 = arith.constant 96 : index
          %swap3A_254 = tpu.vector_load %arg11[%swap3A_251, %swap3A_252, %swap3A_253] {strides = array<i32>} : memref<2x80x128xf32, #tpu.memory_space<vmem>>, vector<1x1x16xf32>,
          %swap3A_255 = vector.shape_cast %swap3A_254 : vector<1x1x16xf32> to vector<16xf32>
          %swap3A_256 = vector.shape_cast %mul3A_249 : vector<16xf32> to vector<1x1x16xf32>
          tpu.vector_store %arg11[%swap3A_251, %swap3A_252, %swap3A_253], %swap3A_256 {strides = array<i32>} : memref<2x80x128xf32, #tpu.memory_space<vmem>>, vector<1x1x16xf32>,
          %get3A_257 = arith.constant 0 : i32
          %get3A_258 = arith.index_cast %get3A_257 : i32 to index
          %get3A_259 = arith.index_cast %scan3A_118 : i32 to index
          %get3A_260 = arith.constant 112 : index
          %get3A_261 = tpu.vector_load %arg12[%get3A_258, %get3A_259, %get3A_260] {strides = array<i32>} : memref<2x80x128xf32, #tpu.memory_space<vmem>>, vector<1x1x16xf32>,
          %get3A_262 = vector.shape_cast %get3A_261 : vector<1x1x16xf32> to vector<16xf32>
          %get3A_263 = arith.constant 0 : i32
          %get3A_264 = arith.index_cast %get3A_263 : i32 to index
          %get3A_265 = arith.index_cast %scan3A_118 : i32 to index
          %get3A_266 = arith.constant 112 : index
          %get3A_267 = tpu.vector_load %arg11[%get3A_264, %get3A_265, %get3A_266] {strides = array<i32>} : memref<2x80x128xf32, #tpu.memory_space<vmem>>, vector<1x1x16xf32>,
          %get3A_268 = vector.shape_cast %get3A_267 : vector<1x1x16xf32> to vector<16xf32>
          %mul3A_269 = arith.mulf %get3A_262, %get3A_268 : vector<16xf32>
          %swap3A_270 = arith.constant 0 : i32
          %swap3A_271 = arith.index_cast %swap3A_270 : i32 to index
          %swap3A_272 = arith.index_cast %scan3A_118 : i32 to index
          %swap3A_273 = arith.constant 112 : index
          %swap3A_274 = tpu.vector_load %arg11[%swap3A_271, %swap3A_272, %swap3A_273] {strides = array<i32>} : memref<2x80x128xf32, #tpu.memory_space<vmem>>, vector<1x1x16xf32>,
          %swap3A_275 = vector.shape_cast %swap3A_274 : vector<1x1x16xf32> to vector<16xf32>
          %swap3A_276 = vector.shape_cast %mul3A_269 : vector<16xf32> to vector<1x1x16xf32>
          tpu.vector_store %arg11[%swap3A_271, %swap3A_272, %swap3A_273], %swap3A_276 {strides = array<i32>} : memref<2x80x128xf32, #tpu.memory_space<vmem>>, vector<1x1x16xf32>,
        }
        %scan3A_116 = arith.constant 80 : i32
        %run_scoped3A = arith.constant 0 : i32
        %run_scoped3A_117 = arith.constant 24 : i32
        "tpu.region"() ({
          %run_scoped3A_118 = tpu.sem_alloc : memref<!tpu.dma_semaphore, #tpu.memory_space<semaphore_mem>>
          %dma_start3A_119 = arith.constant 0 : i32
          %dma_start3A_120 = arith.constant 0 : i32
          %dma_start3A_121 = tpu.memref_slice %arg11[%run_scoped3A, %dma_start3A_119, %dma_start3A_120] : memref<2x80x128xf32, #tpu.memory_space<vmem>> -> memref<1x80x128xf32, #tpu.memory_space<vmem>>
          %dma_start3A_122 = tpu.memref_squeeze %dma_start3A_121 : memref<1x80x128xf32, #tpu.memory_space<vmem>> -> memref<80x128xf32, #tpu.memory_space<vmem>>
          %dma_start3A_123 = arith.constant 0 : i32
          %dma_start3A_124 = tpu.memref_slice %arg9[%run_scoped3A_117, %dma_start3A_123] : memref<25x80xi32, #tpu.memory_space<vmem>> -> memref<1x80xi32, #tpu.memory_space<vmem>>
          %dma_start3A_125 = tpu.memref_squeeze %dma_start3A_124 : memref<1x80xi32, #tpu.memory_space<vmem>> -> memref<80xi32, #tpu.memory_space<vmem>>
          %dma_start3A_126 = arith.constant 0 : i32
          %dma_start3A_127 = arith.constant 0 : i32
          %dma_start3A_128 = tpu.memref_slice %arg8[%dma_start3A_126, %dma_start3A_127] : memref<10000x128xf32, #tpu.memory_space<vmem_shared>> -> memref<10000x128xf32, #tpu.memory_space<vmem_shared>>
          tpu.enqueue_indirect_dma source(%dma_start3A_122 : memref<80x128xf32, #tpu.memory_space<vmem>>) target(%dma_start3A_128 : memref<10000x128xf32, #tpu.memory_space<vmem_shared>>) offsets(%dma_start3A_125 : memref<80xi32, #tpu.memory_space<vmem>>) semaphore(%run_scoped3A_118 : memref<!tpu.dma_semaphore, #tpu.memory_space<semaphore_mem>>) {add = true}
          %dma_wait3A_129 = arith.constant 0 : i32
          %dma_wait3A_130 = arith.constant 0 : i32
          %dma_wait3A_131 = tpu.memref_slice %arg11[%run_scoped3A, %dma_wait3A_129, %dma_wait3A_130] : memref<2x80x128xf32, #tpu.memory_space<vmem>> -> memref<1x80x128xf32, #tpu.memory_space<vmem>>
          %dma_wait3A_132 = tpu.memref_squeeze %dma_wait3A_131 : memref<1x80x128xf32, #tpu.memory_space<vmem>> -> memref<80x128xf32, #tpu.memory_space<vmem>>
          %dma_wait3A_133 = arith.constant 0 : i32
          %dma_wait3A_134 = tpu.memref_slice %arg9[%run_scoped3A_117, %dma_wait3A_133] : memref<25x80xi32, #tpu.memory_space<vmem>> -> memref<1x80xi32, #tpu.memory_space<vmem>>
          %dma_wait3A_135 = tpu.memref_squeeze %dma_wait3A_134 : memref<1x80xi32, #tpu.memory_space<vmem>> -> memref<80xi32, #tpu.memory_space<vmem>>
          %dma_wait3A_136 = arith.constant 0 : i32
          %dma_wait3A_137 = arith.constant 0 : i32
          %dma_wait3A_138 = tpu.memref_slice %arg8[%dma_wait3A_136, %dma_wait3A_137] : memref<10000x128xf32, #tpu.memory_space<vmem_shared>> -> memref<10000x128xf32, #tpu.memory_space<vmem_shared>>
          tpu.wait_indirect_dma semaphore(%run_scoped3A_118 : memref<!tpu.dma_semaphore, #tpu.memory_space<semaphore_mem>>) src(%dma_wait3A_132 : memref<80x128xf32, #tpu.memory_space<vmem>>) dst(%dma_wait3A_138 : memref<10000x128xf32, #tpu.memory_space<vmem_shared>>)
          tpu.yield
        }) : () -> ()
      }
      %scan3A_22 = arith.constant 5 : i32
      %barrier3A_23 = arith.constant 0 : index
      tpu.barrier barrier_id(%barrier3A_23)
      %mul3A_24 = arith.constant 624 : i32
      %mul3A_25 = arith.muli %arg1, %mul3A_24 : i32
      %mul3A_26 = arith.constant 624 : i32
      %mul3A_27 = arith.muli %arg1, %mul3A_26 : i32
      "tpu.region"() ({
        %run_scoped3A = tpu.sem_alloc : memref<!tpu.dma_semaphore, #tpu.memory_space<semaphore_mem>>
        %dma_start3A = arith.constant 0 : i32
        %dma_start3A_34 = tpu.memref_slice %arg7[%scan3A_8, %arg0, %mul3A_27, %dma_start3A] : memref<9x2x10000x128xf32, #tpu.memory_space<hbm>> -> memref<1x1x624x128xf32, #tpu.memory_space<hbm>>
        %dma_start3A_35 = tpu.memref_squeeze %dma_start3A_34 : memref<1x1x624x128xf32, #tpu.memory_space<hbm>> -> memref<624x128xf32, #tpu.memory_space<hbm>>
        %dma_start3A_36 = arith.constant 0 : i32
        %dma_start3A_37 = tpu.memref_slice %arg8[%mul3A_25, %dma_start3A_36] : memref<10000x128xf32, #tpu.memory_space<vmem_shared>> -> memref<624x128xf32, #tpu.memory_space<vmem_shared>>
        tpu.enqueue_dma source(%dma_start3A_37 : memref<624x128xf32, #tpu.memory_space<vmem_shared>>) target(%dma_start3A_35 : memref<624x128xf32, #tpu.memory_space<hbm>>) target_semaphore(%run_scoped3A : memref<!tpu.dma_semaphore, #tpu.memory_space<semaphore_mem>>)
        %dma_wait3A = arith.constant 0 : i32
        %dma_wait3A_38 = tpu.memref_slice %arg7[%scan3A_8, %arg0, %mul3A_27, %dma_wait3A] : memref<9x2x10000x128xf32, #tpu.memory_space<hbm>> -> memref<1x1x624x128xf32, #tpu.memory_space<hbm>>
        %dma_wait3A_39 = tpu.memref_squeeze %dma_wait3A_38 : memref<1x1x624x128xf32, #tpu.memory_space<hbm>> -> memref<624x128xf32, #tpu.memory_space<hbm>>
        %dma_wait3A_40 = arith.constant 0 : i32
        %dma_wait3A_41 = tpu.memref_slice %arg8[%mul3A_25, %dma_wait3A_40] : memref<10000x128xf32, #tpu.memory_space<vmem_shared>> -> memref<624x128xf32, #tpu.memory_space<vmem_shared>>
        tpu.wait_dma2 semaphore(%run_scoped3A : memref<!tpu.dma_semaphore, #tpu.memory_space<semaphore_mem>>) src(%dma_wait3A_41 : memref<624x128xf32, #tpu.memory_space<vmem_shared>>) dst(%dma_wait3A_39 : memref<624x128xf32, #tpu.memory_space<hbm>>)
        tpu.yield
      }) : () -> ()
      %eq3A_28 = arith.constant 15 : i32
      %eq3A_29 = arith.cmpi eq, %arg1, %eq3A_28 : i32
      %convert_element_type3A_30 = arith.extui %eq3A_29 : i1 to i32
      %cond3A_31 = arith.constant 0 : i32
      %cond3A_32 = arith.cmpi ne, %convert_element_type3A_30, %cond3A_31 : i32
      scf.if %cond3A_32 {
        "tpu.region"() ({
          %run_scoped3A = tpu.sem_alloc : memref<!tpu.dma_semaphore, #tpu.memory_space<semaphore_mem>>
          %dma_start3A = arith.constant 9984 : i32
          %dma_start3A_34 = arith.constant 0 : i32
          %dma_start3A_35 = tpu.memref_slice %arg7[%scan3A_8, %arg0, %dma_start3A, %dma_start3A_34] : memref<9x2x10000x128xf32, #tpu.memory_space<hbm>> -> memref<1x1x16x128xf32, #tpu.memory_space<hbm>>
          %dma_start3A_36 = tpu.memref_squeeze %dma_start3A_35 : memref<1x1x16x128xf32, #tpu.memory_space<hbm>> -> memref<16x128xf32, #tpu.memory_space<hbm>>
          %dma_start3A_37 = arith.constant 9984 : i32
          %dma_start3A_38 = arith.constant 0 : i32
          %dma_start3A_39 = tpu.memref_slice %arg8[%dma_start3A_37, %dma_start3A_38] : memref<10000x128xf32, #tpu.memory_space<vmem_shared>> -> memref<16x128xf32, #tpu.memory_space<vmem_shared>>
          tpu.enqueue_dma source(%dma_start3A_39 : memref<16x128xf32, #tpu.memory_space<vmem_shared>>) target(%dma_start3A_36 : memref<16x128xf32, #tpu.memory_space<hbm>>) target_semaphore(%run_scoped3A : memref<!tpu.dma_semaphore, #tpu.memory_space<semaphore_mem>>)
          %dma_wait3A = arith.constant 9984 : i32
          %dma_wait3A_40 = arith.constant 0 : i32
          %dma_wait3A_41 = tpu.memref_slice %arg7[%scan3A_8, %arg0, %dma_wait3A, %dma_wait3A_40] : memref<9x2x10000x128xf32, #tpu.memory_space<hbm>> -> memref<1x1x16x128xf32, #tpu.memory_space<hbm>>
          %dma_wait3A_42 = tpu.memref_squeeze %dma_wait3A_41 : memref<1x1x16x128xf32, #tpu.memory_space<hbm>> -> memref<16x128xf32, #tpu.memory_space<hbm>>
          %dma_wait3A_43 = arith.constant 9984 : i32
          %dma_wait3A_44 = arith.constant 0 : i32
          %dma_wait3A_45 = tpu.memref_slice %arg8[%dma_wait3A_43, %dma_wait3A_44] : memref<10000x128xf32, #tpu.memory_space<vmem_shared>> -> memref<16x128xf32, #tpu.memory_space<vmem_shared>>
          tpu.wait_dma2 semaphore(%run_scoped3A : memref<!tpu.dma_semaphore, #tpu.memory_space<semaphore_mem>>) src(%dma_wait3A_45 : memref<16x128xf32, #tpu.memory_space<vmem_shared>>) dst(%dma_wait3A_42 : memref<16x128xf32, #tpu.memory_space<hbm>>)
          tpu.yield
        }) : () -> ()
      } else {
      }
      %barrier3A_33 = arith.constant 0 : index
      tpu.barrier barrier_id(%barrier3A_33)
    }
    %scan3A_7 = arith.constant 9 : i32
    return
  }
}

module attributes {stable_mosaic.version = 14 : i64} {
  func.func @_radial_body(%arg0: i32, %arg1: memref<2000x32xf32, #tpu.memory_space<vmem>>, %arg2: memref<2000x3xf32, #tpu.memory_space<vmem>>, %arg3: memref<2000x5xf32, #tpu.memory_space<vmem>>, %arg4: memref<32x128xf32, #tpu.memory_space<vmem>>, %arg5: memref<32x128xf32, #tpu.memory_space<vmem>>, %arg6: memref<32x128xf32, #tpu.memory_space<vmem>>, %arg7: memref<9x2000x128xf32, #tpu.memory_space<vmem>>) attributes {dimension_semantics = [#tpu.dimension_semantics<arbitrary>], iteration_bounds = array<i64: 160>, scalar_prefetch = 0 : i64, scratch_operands = 0 : i64, tpu.core_type = #tpu.core_type<tc>, window_params = [{transform_indices = @transform_0, window_bounds = array<i64: 2000, 32>}, {transform_indices = @transform_1, window_bounds = array<i64: 2000, 3>}, {transform_indices = @transform_2, window_bounds = array<i64: 2000, 5>}, {pipeline_mode = #tpu.pipeline_mode<synchronous>, transform_indices = @transform_3, window_bounds = array<i64: 32, 128>}, {pipeline_mode = #tpu.pipeline_mode<synchronous>, transform_indices = @transform_4, window_bounds = array<i64: 32, 128>}, {pipeline_mode = #tpu.pipeline_mode<synchronous>, transform_indices = @transform_5, window_bounds = array<i64: 32, 128>}, {transform_indices = @transform_6, window_bounds = array<i64: 9, 2000, 128>}]} {
    %get3A = arith.constant 0 : index
    %get3A_0 = arith.constant 0 : index
    %get3A_1 = vector.load %arg1[%get3A, %get3A_0] : memref<2000x32xf32, #tpu.memory_space<vmem>>, vector<2000x32xf32>
    %get3A_2 = arith.constant 0 : index
    %get3A_3 = arith.constant 0 : index
    %get3A_4 = vector.load %arg4[%get3A_2, %get3A_3] : memref<32x128xf32, #tpu.memory_space<vmem>>, vector<32x128xf32>
    %dot_general3A = arith.constant dense<0.000000e+00> : vector<2000x128xf32>
    %dot_general3A_5 = tpu.matmul %get3A_1, %get3A_4, %dot_general3A {dimension_numbers = #tpu.dot_dimension_numbers<[1], [0], [0], [1], [0, 0, 1, 1], [], []>, transpose_lhs_hint = false} : vector<2000x32xf32>, vector<32x128xf32>, vector<2000x128xf32> -> vector<2000x128xf32>
    %get3A_6 = arith.constant 0 : index
    %get3A_7 = arith.constant 0 : index
    %get3A_8 = vector.load %arg5[%get3A_6, %get3A_7] : memref<32x128xf32, #tpu.memory_space<vmem>>, vector<32x128xf32>
    %dot_general3A_9 = arith.constant dense<0.000000e+00> : vector<2000x128xf32>
    %dot_general3A_10 = tpu.matmul %get3A_1, %get3A_8, %dot_general3A_9 {dimension_numbers = #tpu.dot_dimension_numbers<[1], [0], [0], [1], [0, 0, 1, 1], [], []>, transpose_lhs_hint = false} : vector<2000x32xf32>, vector<32x128xf32>, vector<2000x128xf32> -> vector<2000x128xf32>
    %get3A_11 = arith.constant 0 : index
    %get3A_12 = arith.constant 0 : index
    %get3A_13 = vector.load %arg6[%get3A_11, %get3A_12] : memref<32x128xf32, #tpu.memory_space<vmem>>, vector<32x128xf32>
    %dot_general3A_14 = arith.constant dense<0.000000e+00> : vector<2000x128xf32>
    %dot_general3A_15 = tpu.matmul %get3A_1, %get3A_13, %dot_general3A_14 {dimension_numbers = #tpu.dot_dimension_numbers<[1], [0], [0], [1], [0, 0, 1, 1], [], []>, transpose_lhs_hint = false} : vector<2000x32xf32>, vector<32x128xf32>, vector<2000x128xf32> -> vector<2000x128xf32>
    %swap3A = arith.constant 0 : index
    %swap3A_16 = arith.constant 0 : index
    %swap3A_17 = arith.constant 0 : index
    %swap3A_18 = vector.load %arg7[%swap3A, %swap3A_16, %swap3A_17] : memref<9x2000x128xf32, #tpu.memory_space<vmem>>, vector<1x2000x128xf32>
    %swap3A_19 = vector.shape_cast %swap3A_18 : vector<1x2000x128xf32> to vector<2000x128xf32>
    %swap3A_20 = vector.shape_cast %dot_general3A_5 : vector<2000x128xf32> to vector<1x2000x128xf32>
    tpu.vector_store %arg7[%swap3A, %swap3A_16, %swap3A_17], %swap3A_20 {strides = array<i32>} : memref<9x2000x128xf32, #tpu.memory_space<vmem>>, vector<1x2000x128xf32>,
    %get3A_21 = arith.constant 0 : index
    %get3A_22 = arith.constant 0 : index
    %get3A_23 = vector.load %arg2[%get3A_21, %get3A_22] : memref<2000x3xf32, #tpu.memory_space<vmem>>, vector<2000x3xf32>
    %slice3A = vector.extract_strided_slice %get3A_23 {offsets = [0, 0], sizes = [2000, 1], strides = [1, 1]} : vector<2000x3xf32> to vector<2000x1xf32>
    %mul3A = vector.broadcast %slice3A : vector<2000x1xf32> to vector<2000x128xf32>
    %mul3A_24 = arith.mulf %dot_general3A_10, %mul3A : vector<2000x128xf32>
    %swap3A_25 = arith.constant 1 : index
    %swap3A_26 = arith.constant 0 : index
    %swap3A_27 = arith.constant 0 : index
    %swap3A_28 = vector.load %arg7[%swap3A_25, %swap3A_26, %swap3A_27] : memref<9x2000x128xf32, #tpu.memory_space<vmem>>, vector<1x2000x128xf32>
    %swap3A_29 = vector.shape_cast %swap3A_28 : vector<1x2000x128xf32> to vector<2000x128xf32>
    %swap3A_30 = vector.shape_cast %mul3A_24 : vector<2000x128xf32> to vector<1x2000x128xf32>
    tpu.vector_store %arg7[%swap3A_25, %swap3A_26, %swap3A_27], %swap3A_30 {strides = array<i32>} : memref<9x2000x128xf32, #tpu.memory_space<vmem>>, vector<1x2000x128xf32>,
    %get3A_31 = arith.constant 0 : index
    %get3A_32 = arith.constant 0 : index
    %get3A_33 = vector.load %arg2[%get3A_31, %get3A_32] : memref<2000x3xf32, #tpu.memory_space<vmem>>, vector<2000x3xf32>
    %slice3A_34 = vector.extract_strided_slice %get3A_33 {offsets = [0, 1], sizes = [2000, 1], strides = [1, 1]} : vector<2000x3xf32> to vector<2000x1xf32>
    %mul3A_35 = vector.broadcast %slice3A_34 : vector<2000x1xf32> to vector<2000x128xf32>
    %mul3A_36 = arith.mulf %dot_general3A_10, %mul3A_35 : vector<2000x128xf32>
    %swap3A_37 = arith.constant 2 : index
    %swap3A_38 = arith.constant 0 : index
    %swap3A_39 = arith.constant 0 : index
    %swap3A_40 = vector.load %arg7[%swap3A_37, %swap3A_38, %swap3A_39] : memref<9x2000x128xf32, #tpu.memory_space<vmem>>, vector<1x2000x128xf32>
    %swap3A_41 = vector.shape_cast %swap3A_40 : vector<1x2000x128xf32> to vector<2000x128xf32>
    %swap3A_42 = vector.shape_cast %mul3A_36 : vector<2000x128xf32> to vector<1x2000x128xf32>
    tpu.vector_store %arg7[%swap3A_37, %swap3A_38, %swap3A_39], %swap3A_42 {strides = array<i32>} : memref<9x2000x128xf32, #tpu.memory_space<vmem>>, vector<1x2000x128xf32>,
    %get3A_43 = arith.constant 0 : index
    %get3A_44 = arith.constant 0 : index
    %get3A_45 = vector.load %arg2[%get3A_43, %get3A_44] : memref<2000x3xf32, #tpu.memory_space<vmem>>, vector<2000x3xf32>
    %slice3A_46 = vector.extract_strided_slice %get3A_45 {offsets = [0, 2], sizes = [2000, 1], strides = [1, 1]} : vector<2000x3xf32> to vector<2000x1xf32>
    %mul3A_47 = vector.broadcast %slice3A_46 : vector<2000x1xf32> to vector<2000x128xf32>
    %mul3A_48 = arith.mulf %dot_general3A_10, %mul3A_47 : vector<2000x128xf32>
    %swap3A_49 = arith.constant 3 : index
    %swap3A_50 = arith.constant 0 : index
    %swap3A_51 = arith.constant 0 : index
    %swap3A_52 = vector.load %arg7[%swap3A_49, %swap3A_50, %swap3A_51] : memref<9x2000x128xf32, #tpu.memory_space<vmem>>, vector<1x2000x128xf32>
    %swap3A_53 = vector.shape_cast %swap3A_52 : vector<1x2000x128xf32> to vector<2000x128xf32>
    %swap3A_54 = vector.shape_cast %mul3A_48 : vector<2000x128xf32> to vector<1x2000x128xf32>
    tpu.vector_store %arg7[%swap3A_49, %swap3A_50, %swap3A_51], %swap3A_54 {strides = array<i32>} : memref<9x2000x128xf32, #tpu.memory_space<vmem>>, vector<1x2000x128xf32>,
    %get3A_55 = arith.constant 0 : index
    %get3A_56 = arith.constant 0 : index
    %get3A_57 = vector.load %arg3[%get3A_55, %get3A_56] : memref<2000x5xf32, #tpu.memory_space<vmem>>, vector<2000x5xf32>
    %slice3A_58 = vector.extract_strided_slice %get3A_57 {offsets = [0, 0], sizes = [2000, 1], strides = [1, 1]} : vector<2000x5xf32> to vector<2000x1xf32>
    %mul3A_59 = vector.broadcast %slice3A_58 : vector<2000x1xf32> to vector<2000x128xf32>
    %mul3A_60 = arith.mulf %dot_general3A_15, %mul3A_59 : vector<2000x128xf32>
    %swap3A_61 = arith.constant 4 : index
    %swap3A_62 = arith.constant 0 : index
    %swap3A_63 = arith.constant 0 : index
    %swap3A_64 = vector.load %arg7[%swap3A_61, %swap3A_62, %swap3A_63] : memref<9x2000x128xf32, #tpu.memory_space<vmem>>, vector<1x2000x128xf32>
    %swap3A_65 = vector.shape_cast %swap3A_64 : vector<1x2000x128xf32> to vector<2000x128xf32>
    %swap3A_66 = vector.shape_cast %mul3A_60 : vector<2000x128xf32> to vector<1x2000x128xf32>
    tpu.vector_store %arg7[%swap3A_61, %swap3A_62, %swap3A_63], %swap3A_66 {strides = array<i32>} : memref<9x2000x128xf32, #tpu.memory_space<vmem>>, vector<1x2000x128xf32>,
    %get3A_67 = arith.constant 0 : index
    %get3A_68 = arith.constant 0 : index
    %get3A_69 = vector.load %arg3[%get3A_67, %get3A_68] : memref<2000x5xf32, #tpu.memory_space<vmem>>, vector<2000x5xf32>
    %slice3A_70 = vector.extract_strided_slice %get3A_69 {offsets = [0, 1], sizes = [2000, 1], strides = [1, 1]} : vector<2000x5xf32> to vector<2000x1xf32>
    %mul3A_71 = vector.broadcast %slice3A_70 : vector<2000x1xf32> to vector<2000x128xf32>
    %mul3A_72 = arith.mulf %dot_general3A_15, %mul3A_71 : vector<2000x128xf32>
    %swap3A_73 = arith.constant 5 : index
    %swap3A_74 = arith.constant 0 : index
    %swap3A_75 = arith.constant 0 : index
    %swap3A_76 = vector.load %arg7[%swap3A_73, %swap3A_74, %swap3A_75] : memref<9x2000x128xf32, #tpu.memory_space<vmem>>, vector<1x2000x128xf32>
    %swap3A_77 = vector.shape_cast %swap3A_76 : vector<1x2000x128xf32> to vector<2000x128xf32>
    %swap3A_78 = vector.shape_cast %mul3A_72 : vector<2000x128xf32> to vector<1x2000x128xf32>
    tpu.vector_store %arg7[%swap3A_73, %swap3A_74, %swap3A_75], %swap3A_78 {strides = array<i32>} : memref<9x2000x128xf32, #tpu.memory_space<vmem>>, vector<1x2000x128xf32>,
    %get3A_79 = arith.constant 0 : index
    %get3A_80 = arith.constant 0 : index
    %get3A_81 = vector.load %arg3[%get3A_79, %get3A_80] : memref<2000x5xf32, #tpu.memory_space<vmem>>, vector<2000x5xf32>
    %slice3A_82 = vector.extract_strided_slice %get3A_81 {offsets = [0, 2], sizes = [2000, 1], strides = [1, 1]} : vector<2000x5xf32> to vector<2000x1xf32>
    %mul3A_83 = vector.broadcast %slice3A_82 : vector<2000x1xf32> to vector<2000x128xf32>
    %mul3A_84 = arith.mulf %dot_general3A_15, %mul3A_83 : vector<2000x128xf32>
    %swap3A_85 = arith.constant 6 : index
    %swap3A_86 = arith.constant 0 : index
    %swap3A_87 = arith.constant 0 : index
    %swap3A_88 = vector.load %arg7[%swap3A_85, %swap3A_86, %swap3A_87] : memref<9x2000x128xf32, #tpu.memory_space<vmem>>, vector<1x2000x128xf32>
    %swap3A_89 = vector.shape_cast %swap3A_88 : vector<1x2000x128xf32> to vector<2000x128xf32>
    %swap3A_90 = vector.shape_cast %mul3A_84 : vector<2000x128xf32> to vector<1x2000x128xf32>
    tpu.vector_store %arg7[%swap3A_85, %swap3A_86, %swap3A_87], %swap3A_90 {strides = array<i32>} : memref<9x2000x128xf32, #tpu.memory_space<vmem>>, vector<1x2000x128xf32>,
    %get3A_91 = arith.constant 0 : index
    %get3A_92 = arith.constant 0 : index
    %get3A_93 = vector.load %arg3[%get3A_91, %get3A_92] : memref<2000x5xf32, #tpu.memory_space<vmem>>, vector<2000x5xf32>
    %slice3A_94 = vector.extract_strided_slice %get3A_93 {offsets = [0, 3], sizes = [2000, 1], strides = [1, 1]} : vector<2000x5xf32> to vector<2000x1xf32>
    %mul3A_95 = vector.broadcast %slice3A_94 : vector<2000x1xf32> to vector<2000x128xf32>
    %mul3A_96 = arith.mulf %dot_general3A_15, %mul3A_95 : vector<2000x128xf32>
    %swap3A_97 = arith.constant 7 : index
    %swap3A_98 = arith.constant 0 : index
    %swap3A_99 = arith.constant 0 : index
    %swap3A_100 = vector.load %arg7[%swap3A_97, %swap3A_98, %swap3A_99] : memref<9x2000x128xf32, #tpu.memory_space<vmem>>, vector<1x2000x128xf32>
    %swap3A_101 = vector.shape_cast %swap3A_100 : vector<1x2000x128xf32> to vector<2000x128xf32>
    %swap3A_102 = vector.shape_cast %mul3A_96 : vector<2000x128xf32> to vector<1x2000x128xf32>
    tpu.vector_store %arg7[%swap3A_97, %swap3A_98, %swap3A_99], %swap3A_102 {strides = array<i32>} : memref<9x2000x128xf32, #tpu.memory_space<vmem>>, vector<1x2000x128xf32>,
    %get3A_103 = arith.constant 0 : index
    %get3A_104 = arith.constant 0 : index
    %get3A_105 = vector.load %arg3[%get3A_103, %get3A_104] : memref<2000x5xf32, #tpu.memory_space<vmem>>, vector<2000x5xf32>
    %slice3A_106 = vector.extract_strided_slice %get3A_105 {offsets = [0, 4], sizes = [2000, 1], strides = [1, 1]} : vector<2000x5xf32> to vector<2000x1xf32>
    %mul3A_107 = vector.broadcast %slice3A_106 : vector<2000x1xf32> to vector<2000x128xf32>
    %mul3A_108 = arith.mulf %dot_general3A_15, %mul3A_107 : vector<2000x128xf32>
    %swap3A_109 = arith.constant 8 : index
    %swap3A_110 = arith.constant 0 : index
    %swap3A_111 = arith.constant 0 : index
    %swap3A_112 = vector.load %arg7[%swap3A_109, %swap3A_110, %swap3A_111] : memref<9x2000x128xf32, #tpu.memory_space<vmem>>, vector<1x2000x128xf32>
    %swap3A_113 = vector.shape_cast %swap3A_112 : vector<1x2000x128xf32> to vector<2000x128xf32>
    %swap3A_114 = vector.shape_cast %mul3A_108 : vector<2000x128xf32> to vector<1x2000x128xf32>
    tpu.vector_store %arg7[%swap3A_109, %swap3A_110, %swap3A_111], %swap3A_114 {strides = array<i32>} : memref<9x2000x128xf32, #tpu.memory_space<vmem>>, vector<1x2000x128xf32>,
    return
  }
  func.func @transform_0(%arg0: i32) -> (i32, i32) {
    %c0_i32 = arith.constant 0 : i32
    %c0_i32_0 = arith.constant 0 : i32
    return %arg0, %c0_i32 : i32, i32
  }
  func.func @transform_1(%arg0: i32) -> (i32, i32) {
    %c0_i32 = arith.constant 0 : i32
    %c0_i32_0 = arith.constant 0 : i32
    return %arg0, %c0_i32 : i32, i32
  }
  func.func @transform_2(%arg0: i32) -> (i32, i32) {
    %c0_i32 = arith.constant 0 : i32
    %c0_i32_0 = arith.constant 0 : i32
    return %arg0, %c0_i32 : i32, i32
  }
  func.func @transform_3(%arg0: i32) -> (i32, i32) {
    %c0_i32 = arith.constant 0 : i32
    %c0_i32_0 = arith.constant 0 : i32
    %c0_i32_1 = arith.constant 0 : i32
    return %c0_i32, %c0_i32_0 : i32, i32
  }
  func.func @transform_4(%arg0: i32) -> (i32, i32) {
    %c0_i32 = arith.constant 0 : i32
    %c0_i32_0 = arith.constant 0 : i32
    %c0_i32_1 = arith.constant 0 : i32
    return %c0_i32, %c0_i32_0 : i32, i32
  }
  func.func @transform_5(%arg0: i32) -> (i32, i32) {
    %c0_i32 = arith.constant 0 : i32
    %c0_i32_0 = arith.constant 0 : i32
    %c0_i32_1 = arith.constant 0 : i32
    return %c0_i32, %c0_i32_0 : i32, i32
  }
  func.func @transform_6(%arg0: i32) -> (i32, i32, i32) {
    %c0_i32 = arith.constant 0 : i32
    %c0_i32_0 = arith.constant 0 : i32
    %c0_i32_1 = arith.constant 0 : i32
    return %c0_i32, %arg0, %c0_i32_0 : i32, i32, i32
  }
}

module attributes {stable_mosaic.version = 14 : i64} {
  func.func @_node_mlps_body(%arg0: i32, %arg1: memref<1000x128xf32, #tpu.memory_space<vmem>>, %arg2: memref<128x128xf32, #tpu.memory_space<vmem>>, %arg3: memref<128xf32, #tpu.memory_space<vmem>>, %arg4: memref<128x128xf32, #tpu.memory_space<vmem>>, %arg5: memref<128xf32, #tpu.memory_space<vmem>>, %arg6: memref<128x128xf32, #tpu.memory_space<vmem>>, %arg7: memref<128xf32, #tpu.memory_space<vmem>>, %arg8: memref<128x128xf32, #tpu.memory_space<vmem>>, %arg9: memref<128xf32, #tpu.memory_space<vmem>>, %arg10: memref<128x128xf32, #tpu.memory_space<vmem>>, %arg11: memref<128xf32, #tpu.memory_space<vmem>>, %arg12: memref<128x128xf32, #tpu.memory_space<vmem>>, %arg13: memref<128xf32, #tpu.memory_space<vmem>>, %arg14: memref<128x128xf32, #tpu.memory_space<vmem>>, %arg15: memref<128xf32, #tpu.memory_space<vmem>>, %arg16: memref<128x128xf32, #tpu.memory_space<vmem>>, %arg17: memref<128xf32, #tpu.memory_space<vmem>>, %arg18: memref<128x128xf32, #tpu.memory_space<vmem>>, %arg19: memref<128xf32, #tpu.memory_space<vmem>>, %arg20: memref<128x128xf32, #tpu.memory_space<vmem>>, %arg21: memref<128xf32, #tpu.memory_space<vmem>>, %arg22: memref<128x128xf32, #tpu.memory_space<vmem>>, %arg23: memref<128xf32, #tpu.memory_space<vmem>>, %arg24: memref<128x128xf32, #tpu.memory_space<vmem>>, %arg25: memref<128xf32, #tpu.memory_space<vmem>>, %arg26: memref<1000x128xf32, #tpu.memory_space<vmem>>, %arg27: memref<3x1000x128xf32, #tpu.memory_space<vmem>>) attributes {dimension_semantics = [#tpu.dimension_semantics<arbitrary>], iteration_bounds = array<i64: 10>, scalar_prefetch = 0 : i64, scratch_operands = 0 : i64, tpu.core_type = #tpu.core_type<tc>, window_params = [{transform_indices = @transform_0, window_bounds = array<i64: 1000, 128>}, {pipeline_mode = #tpu.pipeline_mode<synchronous>, transform_indices = @transform_1, window_bounds = array<i64: 128, 128>}, {pipeline_mode = #tpu.pipeline_mode<synchronous>, transform_indices = @transform_2, window_bounds = array<i64: 128>}, {pipeline_mode = #tpu.pipeline_mode<synchronous>, transform_indices = @transform_3, window_bounds = array<i64: 128, 128>}, {pipeline_mode = #tpu.pipeline_mode<synchronous>, transform_indices = @transform_4, window_bounds = array<i64: 128>}, {pipeline_mode = #tpu.pipeline_mode<synchronous>, transform_indices = @transform_5, window_bounds = array<i64: 128, 128>}, {pipeline_mode = #tpu.pipeline_mode<synchronous>, transform_indices = @transform_6, window_bounds = array<i64: 128>}, {pipeline_mode = #tpu.pipeline_mode<synchronous>, transform_indices = @transform_7, window_bounds = array<i64: 128, 128>}, {pipeline_mode = #tpu.pipeline_mode<synchronous>, transform_indices = @transform_8, window_bounds = array<i64: 128>}, {pipeline_mode = #tpu.pipeline_mode<synchronous>, transform_indices = @transform_9, window_bounds = array<i64: 128, 128>}, {pipeline_mode = #tpu.pipeline_mode<synchronous>, transform_indices = @transform_10, window_bounds = array<i64: 128>}, {pipeline_mode = #tpu.pipeline_mode<synchronous>, transform_indices = @transform_11, window_bounds = array<i64: 128, 128>}, {pipeline_mode = #tpu.pipeline_mode<synchronous>, transform_indices = @transform_12, window_bounds = array<i64: 128>}, {pipeline_mode = #tpu.pipeline_mode<synchronous>, transform_indices = @transform_13, window_bounds = array<i64: 128, 128>}, {pipeline_mode = #tpu.pipeline_mode<synchronous>, transform_indices = @transform_14, window_bounds = array<i64: 128>}, {pipeline_mode = #tpu.pipeline_mode<synchronous>, transform_indices = @transform_15, window_bounds = array<i64: 128, 128>}, {pipeline_mode = #tpu.pipeline_mode<synchronous>, transform_indices = @transform_16, window_bounds = array<i64: 128>}, {pipeline_mode = #tpu.pipeline_mode<synchronous>, transform_indices = @transform_17, window_bounds = array<i64: 128, 128>}, {pipeline_mode = #tpu.pipeline_mode<synchronous>, transform_indices = @transform_18, window_bounds = array<i64: 128>}, {pipeline_mode = #tpu.pipeline_mode<synchronous>, transform_indices = @transform_19, window_bounds = array<i64: 128, 128>}, {pipeline_mode = #tpu.pipeline_mode<synchronous>, transform_indices = @transform_20, window_bounds = array<i64: 128>}, {pipeline_mode = #tpu.pipeline_mode<synchronous>, transform_indices = @transform_21, window_bounds = array<i64: 128, 128>}, {pipeline_mode = #tpu.pipeline_mode<synchronous>, transform_indices = @transform_22, window_bounds = array<i64: 128>}, {pipeline_mode = #tpu.pipeline_mode<synchronous>, transform_indices = @transform_23, window_bounds = array<i64: 128, 128>}, {pipeline_mode = #tpu.pipeline_mode<synchronous>, transform_indices = @transform_24, window_bounds = array<i64: 128>}, {transform_indices = @transform_25, window_bounds = array<i64: 1000, 128>}, {transform_indices = @transform_26, window_bounds = array<i64: 3, 1000, 128>}]} {
    %get3A = arith.constant 0 : index
    %get3A_0 = arith.constant 0 : index
    %get3A_1 = vector.load %arg1[%get3A, %get3A_0] : memref<1000x128xf32, #tpu.memory_space<vmem>>, vector<1000x128xf32>
    %logistic3A = arith.negf %get3A_1 : vector<1000x128xf32>
    %logistic3A_2 = math.exp %logistic3A : vector<1000x128xf32>
    %logistic3A_3 = arith.constant 1.000000e+00 : f32
    %logistic3A_4 = vector.broadcast %logistic3A_3 : f32 to vector<1000x128xf32>
    %logistic3A_5 = arith.addf %logistic3A_4, %logistic3A_2 : vector<1000x128xf32>
    %logistic3A_6 = arith.divf %logistic3A_4, %logistic3A_5 : vector<1000x128xf32>
    %mul3A = arith.mulf %get3A_1, %logistic3A_6 : vector<1000x128xf32>
    %get3A_7 = arith.constant 0 : index
    %get3A_8 = arith.constant 0 : index
    %get3A_9 = vector.load %arg2[%get3A_7, %get3A_8] : memref<128x128xf32, #tpu.memory_space<vmem>>, vector<128x128xf32>
    %dot_general3A = arith.constant dense<0.000000e+00> : vector<1000x128xf32>
    %dot_general3A_10 = tpu.matmul %mul3A, %get3A_9, %dot_general3A {dimension_numbers = #tpu.dot_dimension_numbers<[1], [0], [0], [1], [0, 0, 1, 1], [], []>, transpose_lhs_hint = false} : vector<1000x128xf32>, vector<128x128xf32>, vector<1000x128xf32> -> vector<1000x128xf32>
    %get3A_11 = arith.constant 0 : index
    %get3A_12 = vector.load %arg3[%get3A_11] : memref<128xf32, #tpu.memory_space<vmem>>, vector<128xf32>
    %broadcast_in_dim3A = vector.shape_cast %get3A_12 : vector<128xf32> to vector<1x128xf32>
    %add3A = vector.broadcast %broadcast_in_dim3A : vector<1x128xf32> to vector<1000x128xf32>
    %add3A_13 = arith.addf %dot_general3A_10, %add3A : vector<1000x128xf32>
    %logistic3A_14 = arith.negf %add3A_13 : vector<1000x128xf32>
    %logistic3A_15 = math.exp %logistic3A_14 : vector<1000x128xf32>
    %logistic3A_16 = arith.constant 1.000000e+00 : f32
    %logistic3A_17 = vector.broadcast %logistic3A_16 : f32 to vector<1000x128xf32>
    %logistic3A_18 = arith.addf %logistic3A_17, %logistic3A_15 : vector<1000x128xf32>
    %logistic3A_19 = arith.divf %logistic3A_17, %logistic3A_18 : vector<1000x128xf32>
    %mul3A_20 = arith.mulf %add3A_13, %logistic3A_19 : vector<1000x128xf32>
    %get3A_21 = arith.constant 0 : index
    %get3A_22 = arith.constant 0 : index
    %get3A_23 = vector.load %arg4[%get3A_21, %get3A_22] : memref<128x128xf32, #tpu.memory_space<vmem>>, vector<128x128xf32>
    %dot_general3A_24 = arith.constant dense<0.000000e+00> : vector<1000x128xf32>
    %dot_general3A_25 = tpu.matmul %mul3A_20, %get3A_23, %dot_general3A_24 {dimension_numbers = #tpu.dot_dimension_numbers<[1], [0], [0], [1], [0, 0, 1, 1], [], []>, transpose_lhs_hint = false} : vector<1000x128xf32>, vector<128x128xf32>, vector<1000x128xf32> -> vector<1000x128xf32>
    %get3A_26 = arith.constant 0 : index
    %get3A_27 = vector.load %arg5[%get3A_26] : memref<128xf32, #tpu.memory_space<vmem>>, vector<128xf32>
    %broadcast_in_dim3A_28 = vector.shape_cast %get3A_27 : vector<128xf32> to vector<1x128xf32>
    %add3A_29 = vector.broadcast %broadcast_in_dim3A_28 : vector<1x128xf32> to vector<1000x128xf32>
    %add3A_30 = arith.addf %dot_general3A_25, %add3A_29 : vector<1000x128xf32>
    %add3A_31 = arith.addf %get3A_1, %add3A_30 : vector<1000x128xf32>
    %logistic3A_32 = arith.negf %add3A_31 : vector<1000x128xf32>
    %logistic3A_33 = math.exp %logistic3A_32 : vector<1000x128xf32>
    %logistic3A_34 = arith.constant 1.000000e+00 : f32
    %logistic3A_35 = vector.broadcast %logistic3A_34 : f32 to vector<1000x128xf32>
    %logistic3A_36 = arith.addf %logistic3A_35, %logistic3A_33 : vector<1000x128xf32>
    %logistic3A_37 = arith.divf %logistic3A_35, %logistic3A_36 : vector<1000x128xf32>
    %mul3A_38 = arith.mulf %add3A_31, %logistic3A_37 : vector<1000x128xf32>
    %get3A_39 = arith.constant 0 : index
    %get3A_40 = arith.constant 0 : index
    %get3A_41 = vector.load %arg6[%get3A_39, %get3A_40] : memref<128x128xf32, #tpu.memory_space<vmem>>, vector<128x128xf32>
    %dot_general3A_42 = arith.constant dense<0.000000e+00> : vector<1000x128xf32>
    %dot_general3A_43 = tpu.matmul %mul3A_38, %get3A_41, %dot_general3A_42 {dimension_numbers = #tpu.dot_dimension_numbers<[1], [0], [0], [1], [0, 0, 1, 1], [], []>, transpose_lhs_hint = false} : vector<1000x128xf32>, vector<128x128xf32>, vector<1000x128xf32> -> vector<1000x128xf32>
    %get3A_44 = arith.constant 0 : index
    %get3A_45 = vector.load %arg7[%get3A_44] : memref<128xf32, #tpu.memory_space<vmem>>, vector<128xf32>
    %broadcast_in_dim3A_46 = vector.shape_cast %get3A_45 : vector<128xf32> to vector<1x128xf32>
    %add3A_47 = vector.broadcast %broadcast_in_dim3A_46 : vector<1x128xf32> to vector<1000x128xf32>
    %add3A_48 = arith.addf %dot_general3A_43, %add3A_47 : vector<1000x128xf32>
    %swap3A = arith.constant 0 : index
    %swap3A_49 = arith.constant 0 : index
    %swap3A_50 = vector.load %arg26[%swap3A, %swap3A_49] : memref<1000x128xf32, #tpu.memory_space<vmem>>, vector<1000x128xf32>
    tpu.vector_store %arg26[%swap3A, %swap3A_49], %add3A_48 {strides = array<i32>} : memref<1000x128xf32, #tpu.memory_space<vmem>>, vector<1000x128xf32>,
    %logistic3A_51 = arith.negf %get3A_1 : vector<1000x128xf32>
    %logistic3A_52 = math.exp %logistic3A_51 : vector<1000x128xf32>
    %logistic3A_53 = arith.constant 1.000000e+00 : f32
    %logistic3A_54 = vector.broadcast %logistic3A_53 : f32 to vector<1000x128xf32>
    %logistic3A_55 = arith.addf %logistic3A_54, %logistic3A_52 : vector<1000x128xf32>
    %logistic3A_56 = arith.divf %logistic3A_54, %logistic3A_55 : vector<1000x128xf32>
    %mul3A_57 = arith.mulf %get3A_1, %logistic3A_56 : vector<1000x128xf32>
    %get3A_58 = arith.constant 0 : index
    %get3A_59 = arith.constant 0 : index
    %get3A_60 = vector.load %arg8[%get3A_58, %get3A_59] : memref<128x128xf32, #tpu.memory_space<vmem>>, vector<128x128xf32>
    %dot_general3A_61 = arith.constant dense<0.000000e+00> : vector<1000x128xf32>
    %dot_general3A_62 = tpu.matmul %mul3A_57, %get3A_60, %dot_general3A_61 {dimension_numbers = #tpu.dot_dimension_numbers<[1], [0], [0], [1], [0, 0, 1, 1], [], []>, transpose_lhs_hint = false} : vector<1000x128xf32>, vector<128x128xf32>, vector<1000x128xf32> -> vector<1000x128xf32>
    %get3A_63 = arith.constant 0 : index
    %get3A_64 = vector.load %arg9[%get3A_63] : memref<128xf32, #tpu.memory_space<vmem>>, vector<128xf32>
    %broadcast_in_dim3A_65 = vector.shape_cast %get3A_64 : vector<128xf32> to vector<1x128xf32>
    %add3A_66 = vector.broadcast %broadcast_in_dim3A_65 : vector<1x128xf32> to vector<1000x128xf32>
    %add3A_67 = arith.addf %dot_general3A_62, %add3A_66 : vector<1000x128xf32>
    %logistic3A_68 = arith.negf %add3A_67 : vector<1000x128xf32>
    %logistic3A_69 = math.exp %logistic3A_68 : vector<1000x128xf32>
    %logistic3A_70 = arith.constant 1.000000e+00 : f32
    %logistic3A_71 = vector.broadcast %logistic3A_70 : f32 to vector<1000x128xf32>
    %logistic3A_72 = arith.addf %logistic3A_71, %logistic3A_69 : vector<1000x128xf32>
    %logistic3A_73 = arith.divf %logistic3A_71, %logistic3A_72 : vector<1000x128xf32>
    %mul3A_74 = arith.mulf %add3A_67, %logistic3A_73 : vector<1000x128xf32>
    %get3A_75 = arith.constant 0 : index
    %get3A_76 = arith.constant 0 : index
    %get3A_77 = vector.load %arg10[%get3A_75, %get3A_76] : memref<128x128xf32, #tpu.memory_space<vmem>>, vector<128x128xf32>
    %dot_general3A_78 = arith.constant dense<0.000000e+00> : vector<1000x128xf32>
    %dot_general3A_79 = tpu.matmul %mul3A_74, %get3A_77, %dot_general3A_78 {dimension_numbers = #tpu.dot_dimension_numbers<[1], [0], [0], [1], [0, 0, 1, 1], [], []>, transpose_lhs_hint = false} : vector<1000x128xf32>, vector<128x128xf32>, vector<1000x128xf32> -> vector<1000x128xf32>
    %get3A_80 = arith.constant 0 : index
    %get3A_81 = vector.load %arg11[%get3A_80] : memref<128xf32, #tpu.memory_space<vmem>>, vector<128xf32>
    %broadcast_in_dim3A_82 = vector.shape_cast %get3A_81 : vector<128xf32> to vector<1x128xf32>
    %add3A_83 = vector.broadcast %broadcast_in_dim3A_82 : vector<1x128xf32> to vector<1000x128xf32>
    %add3A_84 = arith.addf %dot_general3A_79, %add3A_83 : vector<1000x128xf32>
    %add3A_85 = arith.addf %get3A_1, %add3A_84 : vector<1000x128xf32>
    %logistic3A_86 = arith.negf %add3A_85 : vector<1000x128xf32>
    %logistic3A_87 = math.exp %logistic3A_86 : vector<1000x128xf32>
    %logistic3A_88 = arith.constant 1.000000e+00 : f32
    %logistic3A_89 = vector.broadcast %logistic3A_88 : f32 to vector<1000x128xf32>
    %logistic3A_90 = arith.addf %logistic3A_89, %logistic3A_87 : vector<1000x128xf32>
    %logistic3A_91 = arith.divf %logistic3A_89, %logistic3A_90 : vector<1000x128xf32>
    %mul3A_92 = arith.mulf %add3A_85, %logistic3A_91 : vector<1000x128xf32>
    %get3A_93 = arith.constant 0 : index
    %get3A_94 = arith.constant 0 : index
    %get3A_95 = vector.load %arg12[%get3A_93, %get3A_94] : memref<128x128xf32, #tpu.memory_space<vmem>>, vector<128x128xf32>
    %dot_general3A_96 = arith.constant dense<0.000000e+00> : vector<1000x128xf32>
    %dot_general3A_97 = tpu.matmul %mul3A_92, %get3A_95, %dot_general3A_96 {dimension_numbers = #tpu.dot_dimension_numbers<[1], [0], [0], [1], [0, 0, 1, 1], [], []>, transpose_lhs_hint = false} : vector<1000x128xf32>, vector<128x128xf32>, vector<1000x128xf32> -> vector<1000x128xf32>
    %get3A_98 = arith.constant 0 : index
    %get3A_99 = vector.load %arg13[%get3A_98] : memref<128xf32, #tpu.memory_space<vmem>>, vector<128xf32>
    %broadcast_in_dim3A_100 = vector.shape_cast %get3A_99 : vector<128xf32> to vector<1x128xf32>
    %add3A_101 = vector.broadcast %broadcast_in_dim3A_100 : vector<1x128xf32> to vector<1000x128xf32>
    %add3A_102 = arith.addf %dot_general3A_97, %add3A_101 : vector<1000x128xf32>
    %swap3A_103 = arith.constant 0 : index
    %swap3A_104 = arith.constant 0 : index
    %swap3A_105 = arith.constant 0 : index
    %swap3A_106 = vector.load %arg27[%swap3A_103, %swap3A_104, %swap3A_105] : memref<3x1000x128xf32, #tpu.memory_space<vmem>>, vector<1x1000x128xf32>
    %swap3A_107 = vector.shape_cast %swap3A_106 : vector<1x1000x128xf32> to vector<1000x128xf32>
    %swap3A_108 = vector.shape_cast %add3A_102 : vector<1000x128xf32> to vector<1x1000x128xf32>
    tpu.vector_store %arg27[%swap3A_103, %swap3A_104, %swap3A_105], %swap3A_108 {strides = array<i32>} : memref<3x1000x128xf32, #tpu.memory_space<vmem>>, vector<1x1000x128xf32>,
    %logistic3A_109 = arith.negf %get3A_1 : vector<1000x128xf32>
    %logistic3A_110 = math.exp %logistic3A_109 : vector<1000x128xf32>
    %logistic3A_111 = arith.constant 1.000000e+00 : f32
    %logistic3A_112 = vector.broadcast %logistic3A_111 : f32 to vector<1000x128xf32>
    %logistic3A_113 = arith.addf %logistic3A_112, %logistic3A_110 : vector<1000x128xf32>
    %logistic3A_114 = arith.divf %logistic3A_112, %logistic3A_113 : vector<1000x128xf32>
    %mul3A_115 = arith.mulf %get3A_1, %logistic3A_114 : vector<1000x128xf32>
    %get3A_116 = arith.constant 0 : index
    %get3A_117 = arith.constant 0 : index
    %get3A_118 = vector.load %arg14[%get3A_116, %get3A_117] : memref<128x128xf32, #tpu.memory_space<vmem>>, vector<128x128xf32>
    %dot_general3A_119 = arith.constant dense<0.000000e+00> : vector<1000x128xf32>
    %dot_general3A_120 = tpu.matmul %mul3A_115, %get3A_118, %dot_general3A_119 {dimension_numbers = #tpu.dot_dimension_numbers<[1], [0], [0], [1], [0, 0, 1, 1], [], []>, transpose_lhs_hint = false} : vector<1000x128xf32>, vector<128x128xf32>, vector<1000x128xf32> -> vector<1000x128xf32>
    %get3A_121 = arith.constant 0 : index
    %get3A_122 = vector.load %arg15[%get3A_121] : memref<128xf32, #tpu.memory_space<vmem>>, vector<128xf32>
    %broadcast_in_dim3A_123 = vector.shape_cast %get3A_122 : vector<128xf32> to vector<1x128xf32>
    %add3A_124 = vector.broadcast %broadcast_in_dim3A_123 : vector<1x128xf32> to vector<1000x128xf32>
    %add3A_125 = arith.addf %dot_general3A_120, %add3A_124 : vector<1000x128xf32>
    %logistic3A_126 = arith.negf %add3A_125 : vector<1000x128xf32>
    %logistic3A_127 = math.exp %logistic3A_126 : vector<1000x128xf32>
    %logistic3A_128 = arith.constant 1.000000e+00 : f32
    %logistic3A_129 = vector.broadcast %logistic3A_128 : f32 to vector<1000x128xf32>
    %logistic3A_130 = arith.addf %logistic3A_129, %logistic3A_127 : vector<1000x128xf32>
    %logistic3A_131 = arith.divf %logistic3A_129, %logistic3A_130 : vector<1000x128xf32>
    %mul3A_132 = arith.mulf %add3A_125, %logistic3A_131 : vector<1000x128xf32>
    %get3A_133 = arith.constant 0 : index
    %get3A_134 = arith.constant 0 : index
    %get3A_135 = vector.load %arg16[%get3A_133, %get3A_134] : memref<128x128xf32, #tpu.memory_space<vmem>>, vector<128x128xf32>
    %dot_general3A_136 = arith.constant dense<0.000000e+00> : vector<1000x128xf32>
    %dot_general3A_137 = tpu.matmul %mul3A_132, %get3A_135, %dot_general3A_136 {dimension_numbers = #tpu.dot_dimension_numbers<[1], [0], [0], [1], [0, 0, 1, 1], [], []>, transpose_lhs_hint = false} : vector<1000x128xf32>, vector<128x128xf32>, vector<1000x128xf32> -> vector<1000x128xf32>
    %get3A_138 = arith.constant 0 : index
    %get3A_139 = vector.load %arg17[%get3A_138] : memref<128xf32, #tpu.memory_space<vmem>>, vector<128xf32>
    %broadcast_in_dim3A_140 = vector.shape_cast %get3A_139 : vector<128xf32> to vector<1x128xf32>
    %add3A_141 = vector.broadcast %broadcast_in_dim3A_140 : vector<1x128xf32> to vector<1000x128xf32>
    %add3A_142 = arith.addf %dot_general3A_137, %add3A_141 : vector<1000x128xf32>
    %add3A_143 = arith.addf %get3A_1, %add3A_142 : vector<1000x128xf32>
    %logistic3A_144 = arith.negf %add3A_143 : vector<1000x128xf32>
    %logistic3A_145 = math.exp %logistic3A_144 : vector<1000x128xf32>
    %logistic3A_146 = arith.constant 1.000000e+00 : f32
    %logistic3A_147 = vector.broadcast %logistic3A_146 : f32 to vector<1000x128xf32>
    %logistic3A_148 = arith.addf %logistic3A_147, %logistic3A_145 : vector<1000x128xf32>
    %logistic3A_149 = arith.divf %logistic3A_147, %logistic3A_148 : vector<1000x128xf32>
    %mul3A_150 = arith.mulf %add3A_143, %logistic3A_149 : vector<1000x128xf32>
    %get3A_151 = arith.constant 0 : index
    %get3A_152 = arith.constant 0 : index
    %get3A_153 = vector.load %arg18[%get3A_151, %get3A_152] : memref<128x128xf32, #tpu.memory_space<vmem>>, vector<128x128xf32>
    %dot_general3A_154 = arith.constant dense<0.000000e+00> : vector<1000x128xf32>
    %dot_general3A_155 = tpu.matmul %mul3A_150, %get3A_153, %dot_general3A_154 {dimension_numbers = #tpu.dot_dimension_numbers<[1], [0], [0], [1], [0, 0, 1, 1], [], []>, transpose_lhs_hint = false} : vector<1000x128xf32>, vector<128x128xf32>, vector<1000x128xf32> -> vector<1000x128xf32>
    %get3A_156 = arith.constant 0 : index
    %get3A_157 = vector.load %arg19[%get3A_156] : memref<128xf32, #tpu.memory_space<vmem>>, vector<128xf32>
    %broadcast_in_dim3A_158 = vector.shape_cast %get3A_157 : vector<128xf32> to vector<1x128xf32>
    %add3A_159 = vector.broadcast %broadcast_in_dim3A_158 : vector<1x128xf32> to vector<1000x128xf32>
    %add3A_160 = arith.addf %dot_general3A_155, %add3A_159 : vector<1000x128xf32>
    %swap3A_161 = arith.constant 1 : index
    %swap3A_162 = arith.constant 0 : index
    %swap3A_163 = arith.constant 0 : index
    %swap3A_164 = vector.load %arg27[%swap3A_161, %swap3A_162, %swap3A_163] : memref<3x1000x128xf32, #tpu.memory_space<vmem>>, vector<1x1000x128xf32>
    %swap3A_165 = vector.shape_cast %swap3A_164 : vector<1x1000x128xf32> to vector<1000x128xf32>
    %swap3A_166 = vector.shape_cast %add3A_160 : vector<1000x128xf32> to vector<1x1000x128xf32>
    tpu.vector_store %arg27[%swap3A_161, %swap3A_162, %swap3A_163], %swap3A_166 {strides = array<i32>} : memref<3x1000x128xf32, #tpu.memory_space<vmem>>, vector<1x1000x128xf32>,
    %logistic3A_167 = arith.negf %get3A_1 : vector<1000x128xf32>
    %logistic3A_168 = math.exp %logistic3A_167 : vector<1000x128xf32>
    %logistic3A_169 = arith.constant 1.000000e+00 : f32
    %logistic3A_170 = vector.broadcast %logistic3A_169 : f32 to vector<1000x128xf32>
    %logistic3A_171 = arith.addf %logistic3A_170, %logistic3A_168 : vector<1000x128xf32>
    %logistic3A_172 = arith.divf %logistic3A_170, %logistic3A_171 : vector<1000x128xf32>
    %mul3A_173 = arith.mulf %get3A_1, %logistic3A_172 : vector<1000x128xf32>
    %get3A_174 = arith.constant 0 : index
    %get3A_175 = arith.constant 0 : index
    %get3A_176 = vector.load %arg20[%get3A_174, %get3A_175] : memref<128x128xf32, #tpu.memory_space<vmem>>, vector<128x128xf32>
    %dot_general3A_177 = arith.constant dense<0.000000e+00> : vector<1000x128xf32>
    %dot_general3A_178 = tpu.matmul %mul3A_173, %get3A_176, %dot_general3A_177 {dimension_numbers = #tpu.dot_dimension_numbers<[1], [0], [0], [1], [0, 0, 1, 1], [], []>, transpose_lhs_hint = false} : vector<1000x128xf32>, vector<128x128xf32>, vector<1000x128xf32> -> vector<1000x128xf32>
    %get3A_179 = arith.constant 0 : index
    %get3A_180 = vector.load %arg21[%get3A_179] : memref<128xf32, #tpu.memory_space<vmem>>, vector<128xf32>
    %broadcast_in_dim3A_181 = vector.shape_cast %get3A_180 : vector<128xf32> to vector<1x128xf32>
    %add3A_182 = vector.broadcast %broadcast_in_dim3A_181 : vector<1x128xf32> to vector<1000x128xf32>
    %add3A_183 = arith.addf %dot_general3A_178, %add3A_182 : vector<1000x128xf32>
    %logistic3A_184 = arith.negf %add3A_183 : vector<1000x128xf32>
    %logistic3A_185 = math.exp %logistic3A_184 : vector<1000x128xf32>
    %logistic3A_186 = arith.constant 1.000000e+00 : f32
    %logistic3A_187 = vector.broadcast %logistic3A_186 : f32 to vector<1000x128xf32>
    %logistic3A_188 = arith.addf %logistic3A_187, %logistic3A_185 : vector<1000x128xf32>
    %logistic3A_189 = arith.divf %logistic3A_187, %logistic3A_188 : vector<1000x128xf32>
    %mul3A_190 = arith.mulf %add3A_183, %logistic3A_189 : vector<1000x128xf32>
    %get3A_191 = arith.constant 0 : index
    %get3A_192 = arith.constant 0 : index
    %get3A_193 = vector.load %arg22[%get3A_191, %get3A_192] : memref<128x128xf32, #tpu.memory_space<vmem>>, vector<128x128xf32>
    %dot_general3A_194 = arith.constant dense<0.000000e+00> : vector<1000x128xf32>
    %dot_general3A_195 = tpu.matmul %mul3A_190, %get3A_193, %dot_general3A_194 {dimension_numbers = #tpu.dot_dimension_numbers<[1], [0], [0], [1], [0, 0, 1, 1], [], []>, transpose_lhs_hint = false} : vector<1000x128xf32>, vector<128x128xf32>, vector<1000x128xf32> -> vector<1000x128xf32>
    %get3A_196 = arith.constant 0 : index
    %get3A_197 = vector.load %arg23[%get3A_196] : memref<128xf32, #tpu.memory_space<vmem>>, vector<128xf32>
    %broadcast_in_dim3A_198 = vector.shape_cast %get3A_197 : vector<128xf32> to vector<1x128xf32>
    %add3A_199 = vector.broadcast %broadcast_in_dim3A_198 : vector<1x128xf32> to vector<1000x128xf32>
    %add3A_200 = arith.addf %dot_general3A_195, %add3A_199 : vector<1000x128xf32>
    %add3A_201 = arith.addf %get3A_1, %add3A_200 : vector<1000x128xf32>
    %logistic3A_202 = arith.negf %add3A_201 : vector<1000x128xf32>
    %logistic3A_203 = math.exp %logistic3A_202 : vector<1000x128xf32>
    %logistic3A_204 = arith.constant 1.000000e+00 : f32
    %logistic3A_205 = vector.broadcast %logistic3A_204 : f32 to vector<1000x128xf32>
    %logistic3A_206 = arith.addf %logistic3A_205, %logistic3A_203 : vector<1000x128xf32>
    %logistic3A_207 = arith.divf %logistic3A_205, %logistic3A_206 : vector<1000x128xf32>
    %mul3A_208 = arith.mulf %add3A_201, %logistic3A_207 : vector<1000x128xf32>
    %get3A_209 = arith.constant 0 : index
    %get3A_210 = arith.constant 0 : index
    %get3A_211 = vector.load %arg24[%get3A_209, %get3A_210] : memref<128x128xf32, #tpu.memory_space<vmem>>, vector<128x128xf32>
    %dot_general3A_212 = arith.constant dense<0.000000e+00> : vector<1000x128xf32>
    %dot_general3A_213 = tpu.matmul %mul3A_208, %get3A_211, %dot_general3A_212 {dimension_numbers = #tpu.dot_dimension_numbers<[1], [0], [0], [1], [0, 0, 1, 1], [], []>, transpose_lhs_hint = false} : vector<1000x128xf32>, vector<128x128xf32>, vector<1000x128xf32> -> vector<1000x128xf32>
    %get3A_214 = arith.constant 0 : index
    %get3A_215 = vector.load %arg25[%get3A_214] : memref<128xf32, #tpu.memory_space<vmem>>, vector<128xf32>
    %broadcast_in_dim3A_216 = vector.shape_cast %get3A_215 : vector<128xf32> to vector<1x128xf32>
    %add3A_217 = vector.broadcast %broadcast_in_dim3A_216 : vector<1x128xf32> to vector<1000x128xf32>
    %add3A_218 = arith.addf %dot_general3A_213, %add3A_217 : vector<1000x128xf32>
    %swap3A_219 = arith.constant 2 : index
    %swap3A_220 = arith.constant 0 : index
    %swap3A_221 = arith.constant 0 : index
    %swap3A_222 = vector.load %arg27[%swap3A_219, %swap3A_220, %swap3A_221] : memref<3x1000x128xf32, #tpu.memory_space<vmem>>, vector<1x1000x128xf32>
    %swap3A_223 = vector.shape_cast %swap3A_222 : vector<1x1000x128xf32> to vector<1000x128xf32>
    %swap3A_224 = vector.shape_cast %add3A_218 : vector<1000x128xf32> to vector<1x1000x128xf32>
    tpu.vector_store %arg27[%swap3A_219, %swap3A_220, %swap3A_221], %swap3A_224 {strides = array<i32>} : memref<3x1000x128xf32, #tpu.memory_space<vmem>>, vector<1x1000x128xf32>,
    return
  }
  func.func @transform_0(%arg0: i32) -> (i32, i32) {
    %c0_i32 = arith.constant 0 : i32
    %c0_i32_0 = arith.constant 0 : i32
    return %arg0, %c0_i32 : i32, i32
  }
  func.func @transform_1(%arg0: i32) -> (i32, i32) {
    %c0_i32 = arith.constant 0 : i32
    %c0_i32_0 = arith.constant 0 : i32
    %c0_i32_1 = arith.constant 0 : i32
    return %c0_i32, %c0_i32_0 : i32, i32
  }
  func.func @transform_2(%arg0: i32) -> i32 {
    %c0_i32 = arith.constant 0 : i32
    %c0_i32_0 = arith.constant 0 : i32
    return %c0_i32 : i32
  }
  func.func @transform_3(%arg0: i32) -> (i32, i32) {
    %c0_i32 = arith.constant 0 : i32
    %c0_i32_0 = arith.constant 0 : i32
    %c0_i32_1 = arith.constant 0 : i32
    return %c0_i32, %c0_i32_0 : i32, i32
  }
  func.func @transform_4(%arg0: i32) -> i32 {
    %c0_i32 = arith.constant 0 : i32
    %c0_i32_0 = arith.constant 0 : i32
    return %c0_i32 : i32
  }
  func.func @transform_5(%arg0: i32) -> (i32, i32) {
    %c0_i32 = arith.constant 0 : i32
    %c0_i32_0 = arith.constant 0 : i32
    %c0_i32_1 = arith.constant 0 : i32
    return %c0_i32, %c0_i32_0 : i32, i32
  }
  func.func @transform_6(%arg0: i32) -> i32 {
    %c0_i32 = arith.constant 0 : i32
    %c0_i32_0 = arith.constant 0 : i32
    return %c0_i32 : i32
  }
  func.func @transform_7(%arg0: i32) -> (i32, i32) {
    %c0_i32 = arith.constant 0 : i32
    %c0_i32_0 = arith.constant 0 : i32
    %c0_i32_1 = arith.constant 0 : i32
    return %c0_i32, %c0_i32_0 : i32, i32
  }
  func.func @transform_8(%arg0: i32) -> i32 {
    %c0_i32 = arith.constant 0 : i32
    %c0_i32_0 = arith.constant 0 : i32
    return %c0_i32 : i32
  }
  func.func @transform_9(%arg0: i32) -> (i32, i32) {
    %c0_i32 = arith.constant 0 : i32
    %c0_i32_0 = arith.constant 0 : i32
    %c0_i32_1 = arith.constant 0 : i32
    return %c0_i32, %c0_i32_0 : i32, i32
  }
  func.func @transform_10(%arg0: i32) -> i32 {
    %c0_i32 = arith.constant 0 : i32
    %c0_i32_0 = arith.constant 0 : i32
    return %c0_i32 : i32
  }
  func.func @transform_11(%arg0: i32) -> (i32, i32) {
    %c0_i32 = arith.constant 0 : i32
    %c0_i32_0 = arith.constant 0 : i32
    %c0_i32_1 = arith.constant 0 : i32
    return %c0_i32, %c0_i32_0 : i32, i32
  }
  func.func @transform_12(%arg0: i32) -> i32 {
    %c0_i32 = arith.constant 0 : i32
    %c0_i32_0 = arith.constant 0 : i32
    return %c0_i32 : i32
  }
  func.func @transform_13(%arg0: i32) -> (i32, i32) {
    %c0_i32 = arith.constant 0 : i32
    %c0_i32_0 = arith.constant 0 : i32
    %c0_i32_1 = arith.constant 0 : i32
    return %c0_i32, %c0_i32_0 : i32, i32
  }
  func.func @transform_14(%arg0: i32) -> i32 {
    %c0_i32 = arith.constant 0 : i32
    %c0_i32_0 = arith.constant 0 : i32
    return %c0_i32 : i32
  }
  func.func @transform_15(%arg0: i32) -> (i32, i32) {
    %c0_i32 = arith.constant 0 : i32
    %c0_i32_0 = arith.constant 0 : i32
    %c0_i32_1 = arith.constant 0 : i32
    return %c0_i32, %c0_i32_0 : i32, i32
  }
  func.func @transform_16(%arg0: i32) -> i32 {
    %c0_i32 = arith.constant 0 : i32
    %c0_i32_0 = arith.constant 0 : i32
    return %c0_i32 : i32
  }
  func.func @transform_17(%arg0: i32) -> (i32, i32) {
    %c0_i32 = arith.constant 0 : i32
    %c0_i32_0 = arith.constant 0 : i32
    %c0_i32_1 = arith.constant 0 : i32
    return %c0_i32, %c0_i32_0 : i32, i32
  }
  func.func @transform_18(%arg0: i32) -> i32 {
    %c0_i32 = arith.constant 0 : i32
    %c0_i32_0 = arith.constant 0 : i32
    return %c0_i32 : i32
  }
  func.func @transform_19(%arg0: i32) -> (i32, i32) {
    %c0_i32 = arith.constant 0 : i32
    %c0_i32_0 = arith.constant 0 : i32
    %c0_i32_1 = arith.constant 0 : i32
    return %c0_i32, %c0_i32_0 : i32, i32
  }
  func.func @transform_20(%arg0: i32) -> i32 {
    %c0_i32 = arith.constant 0 : i32
    %c0_i32_0 = arith.constant 0 : i32
    return %c0_i32 : i32
  }
  func.func @transform_21(%arg0: i32) -> (i32, i32) {
    %c0_i32 = arith.constant 0 : i32
    %c0_i32_0 = arith.constant 0 : i32
    %c0_i32_1 = arith.constant 0 : i32
    return %c0_i32, %c0_i32_0 : i32, i32
  }
  func.func @transform_22(%arg0: i32) -> i32 {
    %c0_i32 = arith.constant 0 : i32
    %c0_i32_0 = arith.constant 0 : i32
    return %c0_i32 : i32
  }
  func.func @transform_23(%arg0: i32) -> (i32, i32) {
    %c0_i32 = arith.constant 0 : i32
    %c0_i32_0 = arith.constant 0 : i32
    %c0_i32_1 = arith.constant 0 : i32
    return %c0_i32, %c0_i32_0 : i32, i32
  }
  func.func @transform_24(%arg0: i32) -> i32 {
    %c0_i32 = arith.constant 0 : i32
    %c0_i32_0 = arith.constant 0 : i32
    return %c0_i32 : i32
  }
  func.func @transform_25(%arg0: i32) -> (i32, i32) {
    %c0_i32 = arith.constant 0 : i32
    %c0_i32_0 = arith.constant 0 : i32
    return %arg0, %c0_i32 : i32, i32
  }
  func.func @transform_26(%arg0: i32) -> (i32, i32, i32) {
    %c0_i32 = arith.constant 0 : i32
    %c0_i32_0 = arith.constant 0 : i32
    %c0_i32_1 = arith.constant 0 : i32
    return %c0_i32, %arg0, %c0_i32_0 : i32, i32, i32
  }
}

module attributes {stable_mosaic.version = 14 : i64} {
  func.func @_combine_body(%arg0: i32, %arg1: memref<1000x128xf32, #tpu.memory_space<vmem>>, %arg2: memref<9x2x1000x128xf32, #tpu.memory_space<vmem>>, %arg3: memref<128x256xf32, #tpu.memory_space<vmem>>, %arg4: memref<128x256xf32, #tpu.memory_space<vmem>>, %arg5: memref<128x128xf32, #tpu.memory_space<vmem>>, %arg6: memref<128xf32, #tpu.memory_space<vmem>>, %arg7: memref<128x128xf32, #tpu.memory_space<vmem>>, %arg8: memref<128xf32, #tpu.memory_space<vmem>>, %arg9: memref<128x128xf32, #tpu.memory_space<vmem>>, %arg10: memref<128xf32, #tpu.memory_space<vmem>>, %arg11: memref<1000x128xf32, #tpu.memory_space<vmem>>) attributes {dimension_semantics = [#tpu.dimension_semantics<arbitrary>], iteration_bounds = array<i64: 10>, scalar_prefetch = 0 : i64, scratch_operands = 0 : i64, tpu.core_type = #tpu.core_type<tc>, window_params = [{transform_indices = @transform_0, window_bounds = array<i64: 1000, 128>}, {transform_indices = @transform_1, window_bounds = array<i64: 9, 2, 1000, 128>}, {pipeline_mode = #tpu.pipeline_mode<synchronous>, transform_indices = @transform_2, window_bounds = array<i64: 128, 256>}, {pipeline_mode = #tpu.pipeline_mode<synchronous>, transform_indices = @transform_3, window_bounds = array<i64: 128, 256>}, {pipeline_mode = #tpu.pipeline_mode<synchronous>, transform_indices = @transform_4, window_bounds = array<i64: 128, 128>}, {pipeline_mode = #tpu.pipeline_mode<synchronous>, transform_indices = @transform_5, window_bounds = array<i64: 128>}, {pipeline_mode = #tpu.pipeline_mode<synchronous>, transform_indices = @transform_6, window_bounds = array<i64: 128, 128>}, {pipeline_mode = #tpu.pipeline_mode<synchronous>, transform_indices = @transform_7, window_bounds = array<i64: 128>}, {pipeline_mode = #tpu.pipeline_mode<synchronous>, transform_indices = @transform_8, window_bounds = array<i64: 128, 128>}, {pipeline_mode = #tpu.pipeline_mode<synchronous>, transform_indices = @transform_9, window_bounds = array<i64: 128>}, {transform_indices = @transform_10, window_bounds = array<i64: 1000, 128>}]} {
    %get3A = arith.constant 0 : index
    %get3A_0 = arith.constant 0 : index
    %get3A_1 = vector.load %arg1[%get3A, %get3A_0] : memref<1000x128xf32, #tpu.memory_space<vmem>>, vector<1000x128xf32>
    %get3A_2 = arith.constant 0 : index
    %get3A_3 = arith.constant 0 : index
    %get3A_4 = arith.constant 0 : index
    %get3A_5 = arith.constant 0 : index
    %get3A_6 = vector.load %arg2[%get3A_2, %get3A_3, %get3A_4, %get3A_5] : memref<9x2x1000x128xf32, #tpu.memory_space<vmem>>, vector<1x1x1000x128xf32>
    %get3A_7 = vector.shape_cast %get3A_6 : vector<1x1x1000x128xf32> to vector<1000x128xf32>
    %add3A = arith.addf %get3A_1, %get3A_7 : vector<1000x128xf32>
    %get3A_8 = arith.constant 0 : index
    %get3A_9 = arith.constant 1 : index
    %get3A_10 = arith.constant 0 : index
    %get3A_11 = arith.constant 0 : index
    %get3A_12 = vector.load %arg2[%get3A_8, %get3A_9, %get3A_10, %get3A_11] : memref<9x2x1000x128xf32, #tpu.memory_space<vmem>>, vector<1x1x1000x128xf32>
    %get3A_13 = vector.shape_cast %get3A_12 : vector<1x1x1000x128xf32> to vector<1000x128xf32>
    %add3A_14 = arith.addf %add3A, %get3A_13 : vector<1000x128xf32>
    %get3A_15 = arith.constant 1 : index
    %get3A_16 = arith.constant 0 : index
    %get3A_17 = arith.constant 0 : index
    %get3A_18 = arith.constant 0 : index
    %get3A_19 = vector.load %arg2[%get3A_15, %get3A_16, %get3A_17, %get3A_18] : memref<9x2x1000x128xf32, #tpu.memory_space<vmem>>, vector<1x1x1000x128xf32>
    %get3A_20 = vector.shape_cast %get3A_19 : vector<1x1x1000x128xf32> to vector<1000x128xf32>
    %get3A_21 = arith.constant 1 : index
    %get3A_22 = arith.constant 1 : index
    %get3A_23 = arith.constant 0 : index
    %get3A_24 = arith.constant 0 : index
    %get3A_25 = vector.load %arg2[%get3A_21, %get3A_22, %get3A_23, %get3A_24] : memref<9x2x1000x128xf32, #tpu.memory_space<vmem>>, vector<1x1x1000x128xf32>
    %get3A_26 = vector.shape_cast %get3A_25 : vector<1x1x1000x128xf32> to vector<1000x128xf32>
    %add3A_27 = arith.addf %get3A_20, %get3A_26 : vector<1000x128xf32>
    %get3A_28 = arith.constant 0 : index
    %get3A_29 = arith.constant 0 : index
    %get3A_30 = vector.load %arg3[%get3A_28, %get3A_29] : memref<128x256xf32, #tpu.memory_space<vmem>>, vector<128x256xf32>
    %dot_general3A = arith.constant dense<0.000000e+00> : vector<1000x256xf32>
    %dot_general3A_31 = tpu.matmul %add3A_27, %get3A_30, %dot_general3A {dimension_numbers = #tpu.dot_dimension_numbers<[1], [0], [0], [1], [0, 0, 1, 1], [], []>, transpose_lhs_hint = false} : vector<1000x128xf32>, vector<128x256xf32>, vector<1000x256xf32> -> vector<1000x256xf32>
    %slice3A = vector.extract_strided_slice %dot_general3A_31 {offsets = [0, 0], sizes = [1000, 128], strides = [1, 1]} : vector<1000x256xf32> to vector<1000x128xf32>
    %slice3A_32 = vector.extract_strided_slice %dot_general3A_31 {offsets = [0, 128], sizes = [1000, 128], strides = [1, 1]} : vector<1000x256xf32> to vector<1000x128xf32>
    %mul3A = arith.mulf %slice3A, %slice3A_32 : vector<1000x128xf32>
    %add3A_33 = arith.addf %add3A_14, %mul3A : vector<1000x128xf32>
    %get3A_34 = arith.constant 2 : index
    %get3A_35 = arith.constant 0 : index
    %get3A_36 = arith.constant 0 : index
    %get3A_37 = arith.constant 0 : index
    %get3A_38 = vector.load %arg2[%get3A_34, %get3A_35, %get3A_36, %get3A_37] : memref<9x2x1000x128xf32, #tpu.memory_space<vmem>>, vector<1x1x1000x128xf32>
    %get3A_39 = vector.shape_cast %get3A_38 : vector<1x1x1000x128xf32> to vector<1000x128xf32>
    %get3A_40 = arith.constant 2 : index
    %get3A_41 = arith.constant 1 : index
    %get3A_42 = arith.constant 0 : index
    %get3A_43 = arith.constant 0 : index
    %get3A_44 = vector.load %arg2[%get3A_40, %get3A_41, %get3A_42, %get3A_43] : memref<9x2x1000x128xf32, #tpu.memory_space<vmem>>, vector<1x1x1000x128xf32>
    %get3A_45 = vector.shape_cast %get3A_44 : vector<1x1x1000x128xf32> to vector<1000x128xf32>
    %add3A_46 = arith.addf %get3A_39, %get3A_45 : vector<1000x128xf32>
    %get3A_47 = arith.constant 0 : index
    %get3A_48 = arith.constant 0 : index
    %get3A_49 = vector.load %arg3[%get3A_47, %get3A_48] : memref<128x256xf32, #tpu.memory_space<vmem>>, vector<128x256xf32>
    %dot_general3A_50 = arith.constant dense<0.000000e+00> : vector<1000x256xf32>
    %dot_general3A_51 = tpu.matmul %add3A_46, %get3A_49, %dot_general3A_50 {dimension_numbers = #tpu.dot_dimension_numbers<[1], [0], [0], [1], [0, 0, 1, 1], [], []>, transpose_lhs_hint = false} : vector<1000x128xf32>, vector<128x256xf32>, vector<1000x256xf32> -> vector<1000x256xf32>
    %slice3A_52 = vector.extract_strided_slice %dot_general3A_51 {offsets = [0, 0], sizes = [1000, 128], strides = [1, 1]} : vector<1000x256xf32> to vector<1000x128xf32>
    %slice3A_53 = vector.extract_strided_slice %dot_general3A_51 {offsets = [0, 128], sizes = [1000, 128], strides = [1, 1]} : vector<1000x256xf32> to vector<1000x128xf32>
    %mul3A_54 = arith.mulf %slice3A_52, %slice3A_53 : vector<1000x128xf32>
    %add3A_55 = arith.addf %add3A_33, %mul3A_54 : vector<1000x128xf32>
    %get3A_56 = arith.constant 3 : index
    %get3A_57 = arith.constant 0 : index
    %get3A_58 = arith.constant 0 : index
    %get3A_59 = arith.constant 0 : index
    %get3A_60 = vector.load %arg2[%get3A_56, %get3A_57, %get3A_58, %get3A_59] : memref<9x2x1000x128xf32, #tpu.memory_space<vmem>>, vector<1x1x1000x128xf32>
    %get3A_61 = vector.shape_cast %get3A_60 : vector<1x1x1000x128xf32> to vector<1000x128xf32>
    %get3A_62 = arith.constant 3 : index
    %get3A_63 = arith.constant 1 : index
    %get3A_64 = arith.constant 0 : index
    %get3A_65 = arith.constant 0 : index
    %get3A_66 = vector.load %arg2[%get3A_62, %get3A_63, %get3A_64, %get3A_65] : memref<9x2x1000x128xf32, #tpu.memory_space<vmem>>, vector<1x1x1000x128xf32>
    %get3A_67 = vector.shape_cast %get3A_66 : vector<1x1x1000x128xf32> to vector<1000x128xf32>
    %add3A_68 = arith.addf %get3A_61, %get3A_67 : vector<1000x128xf32>
    %get3A_69 = arith.constant 0 : index
    %get3A_70 = arith.constant 0 : index
    %get3A_71 = vector.load %arg3[%get3A_69, %get3A_70] : memref<128x256xf32, #tpu.memory_space<vmem>>, vector<128x256xf32>
    %dot_general3A_72 = arith.constant dense<0.000000e+00> : vector<1000x256xf32>
    %dot_general3A_73 = tpu.matmul %add3A_68, %get3A_71, %dot_general3A_72 {dimension_numbers = #tpu.dot_dimension_numbers<[1], [0], [0], [1], [0, 0, 1, 1], [], []>, transpose_lhs_hint = false} : vector<1000x128xf32>, vector<128x256xf32>, vector<1000x256xf32> -> vector<1000x256xf32>
    %slice3A_74 = vector.extract_strided_slice %dot_general3A_73 {offsets = [0, 0], sizes = [1000, 128], strides = [1, 1]} : vector<1000x256xf32> to vector<1000x128xf32>
    %slice3A_75 = vector.extract_strided_slice %dot_general3A_73 {offsets = [0, 128], sizes = [1000, 128], strides = [1, 1]} : vector<1000x256xf32> to vector<1000x128xf32>
    %mul3A_76 = arith.mulf %slice3A_74, %slice3A_75 : vector<1000x128xf32>
    %add3A_77 = arith.addf %add3A_55, %mul3A_76 : vector<1000x128xf32>
    %get3A_78 = arith.constant 4 : index
    %get3A_79 = arith.constant 0 : index
    %get3A_80 = arith.constant 0 : index
    %get3A_81 = arith.constant 0 : index
    %get3A_82 = vector.load %arg2[%get3A_78, %get3A_79, %get3A_80, %get3A_81] : memref<9x2x1000x128xf32, #tpu.memory_space<vmem>>, vector<1x1x1000x128xf32>
    %get3A_83 = vector.shape_cast %get3A_82 : vector<1x1x1000x128xf32> to vector<1000x128xf32>
    %get3A_84 = arith.constant 4 : index
    %get3A_85 = arith.constant 1 : index
    %get3A_86 = arith.constant 0 : index
    %get3A_87 = arith.constant 0 : index
    %get3A_88 = vector.load %arg2[%get3A_84, %get3A_85, %get3A_86, %get3A_87] : memref<9x2x1000x128xf32, #tpu.memory_space<vmem>>, vector<1x1x1000x128xf32>
    %get3A_89 = vector.shape_cast %get3A_88 : vector<1x1x1000x128xf32> to vector<1000x128xf32>
    %add3A_90 = arith.addf %get3A_83, %get3A_89 : vector<1000x128xf32>
    %get3A_91 = arith.constant 0 : index
    %get3A_92 = arith.constant 0 : index
    %get3A_93 = vector.load %arg4[%get3A_91, %get3A_92] : memref<128x256xf32, #tpu.memory_space<vmem>>, vector<128x256xf32>
    %dot_general3A_94 = arith.constant dense<0.000000e+00> : vector<1000x256xf32>
    %dot_general3A_95 = tpu.matmul %add3A_90, %get3A_93, %dot_general3A_94 {dimension_numbers = #tpu.dot_dimension_numbers<[1], [0], [0], [1], [0, 0, 1, 1], [], []>, transpose_lhs_hint = false} : vector<1000x128xf32>, vector<128x256xf32>, vector<1000x256xf32> -> vector<1000x256xf32>
    %slice3A_96 = vector.extract_strided_slice %dot_general3A_95 {offsets = [0, 0], sizes = [1000, 128], strides = [1, 1]} : vector<1000x256xf32> to vector<1000x128xf32>
    %slice3A_97 = vector.extract_strided_slice %dot_general3A_95 {offsets = [0, 128], sizes = [1000, 128], strides = [1, 1]} : vector<1000x256xf32> to vector<1000x128xf32>
    %mul3A_98 = arith.mulf %slice3A_96, %slice3A_97 : vector<1000x128xf32>
    %add3A_99 = arith.addf %add3A_77, %mul3A_98 : vector<1000x128xf32>
    %get3A_100 = arith.constant 5 : index
    %get3A_101 = arith.constant 0 : index
    %get3A_102 = arith.constant 0 : index
    %get3A_103 = arith.constant 0 : index
    %get3A_104 = vector.load %arg2[%get3A_100, %get3A_101, %get3A_102, %get3A_103] : memref<9x2x1000x128xf32, #tpu.memory_space<vmem>>, vector<1x1x1000x128xf32>
    %get3A_105 = vector.shape_cast %get3A_104 : vector<1x1x1000x128xf32> to vector<1000x128xf32>
    %get3A_106 = arith.constant 5 : index
    %get3A_107 = arith.constant 1 : index
    %get3A_108 = arith.constant 0 : index
    %get3A_109 = arith.constant 0 : index
    %get3A_110 = vector.load %arg2[%get3A_106, %get3A_107, %get3A_108, %get3A_109] : memref<9x2x1000x128xf32, #tpu.memory_space<vmem>>, vector<1x1x1000x128xf32>
    %get3A_111 = vector.shape_cast %get3A_110 : vector<1x1x1000x128xf32> to vector<1000x128xf32>
    %add3A_112 = arith.addf %get3A_105, %get3A_111 : vector<1000x128xf32>
    %get3A_113 = arith.constant 0 : index
    %get3A_114 = arith.constant 0 : index
    %get3A_115 = vector.load %arg4[%get3A_113, %get3A_114] : memref<128x256xf32, #tpu.memory_space<vmem>>, vector<128x256xf32>
    %dot_general3A_116 = arith.constant dense<0.000000e+00> : vector<1000x256xf32>
    %dot_general3A_117 = tpu.matmul %add3A_112, %get3A_115, %dot_general3A_116 {dimension_numbers = #tpu.dot_dimension_numbers<[1], [0], [0], [1], [0, 0, 1, 1], [], []>, transpose_lhs_hint = false} : vector<1000x128xf32>, vector<128x256xf32>, vector<1000x256xf32> -> vector<1000x256xf32>
    %slice3A_118 = vector.extract_strided_slice %dot_general3A_117 {offsets = [0, 0], sizes = [1000, 128], strides = [1, 1]} : vector<1000x256xf32> to vector<1000x128xf32>
    %slice3A_119 = vector.extract_strided_slice %dot_general3A_117 {offsets = [0, 128], sizes = [1000, 128], strides = [1, 1]} : vector<1000x256xf32> to vector<1000x128xf32>
    %mul3A_120 = arith.mulf %slice3A_118, %slice3A_119 : vector<1000x128xf32>
    %add3A_121 = arith.addf %add3A_99, %mul3A_120 : vector<1000x128xf32>
    %get3A_122 = arith.constant 6 : index
    %get3A_123 = arith.constant 0 : index
    %get3A_124 = arith.constant 0 : index
    %get3A_125 = arith.constant 0 : index
    %get3A_126 = vector.load %arg2[%get3A_122, %get3A_123, %get3A_124, %get3A_125] : memref<9x2x1000x128xf32, #tpu.memory_space<vmem>>, vector<1x1x1000x128xf32>
    %get3A_127 = vector.shape_cast %get3A_126 : vector<1x1x1000x128xf32> to vector<1000x128xf32>
    %get3A_128 = arith.constant 6 : index
    %get3A_129 = arith.constant 1 : index
    %get3A_130 = arith.constant 0 : index
    %get3A_131 = arith.constant 0 : index
    %get3A_132 = vector.load %arg2[%get3A_128, %get3A_129, %get3A_130, %get3A_131] : memref<9x2x1000x128xf32, #tpu.memory_space<vmem>>, vector<1x1x1000x128xf32>
    %get3A_133 = vector.shape_cast %get3A_132 : vector<1x1x1000x128xf32> to vector<1000x128xf32>
    %add3A_134 = arith.addf %get3A_127, %get3A_133 : vector<1000x128xf32>
    %get3A_135 = arith.constant 0 : index
    %get3A_136 = arith.constant 0 : index
    %get3A_137 = vector.load %arg4[%get3A_135, %get3A_136] : memref<128x256xf32, #tpu.memory_space<vmem>>, vector<128x256xf32>
    %dot_general3A_138 = arith.constant dense<0.000000e+00> : vector<1000x256xf32>
    %dot_general3A_139 = tpu.matmul %add3A_134, %get3A_137, %dot_general3A_138 {dimension_numbers = #tpu.dot_dimension_numbers<[1], [0], [0], [1], [0, 0, 1, 1], [], []>, transpose_lhs_hint = false} : vector<1000x128xf32>, vector<128x256xf32>, vector<1000x256xf32> -> vector<1000x256xf32>
    %slice3A_140 = vector.extract_strided_slice %dot_general3A_139 {offsets = [0, 0], sizes = [1000, 128], strides = [1, 1]} : vector<1000x256xf32> to vector<1000x128xf32>
    %slice3A_141 = vector.extract_strided_slice %dot_general3A_139 {offsets = [0, 128], sizes = [1000, 128], strides = [1, 1]} : vector<1000x256xf32> to vector<1000x128xf32>
    %mul3A_142 = arith.mulf %slice3A_140, %slice3A_141 : vector<1000x128xf32>
    %add3A_143 = arith.addf %add3A_121, %mul3A_142 : vector<1000x128xf32>
    %get3A_144 = arith.constant 7 : index
    %get3A_145 = arith.constant 0 : index
    %get3A_146 = arith.constant 0 : index
    %get3A_147 = arith.constant 0 : index
    %get3A_148 = vector.load %arg2[%get3A_144, %get3A_145, %get3A_146, %get3A_147] : memref<9x2x1000x128xf32, #tpu.memory_space<vmem>>, vector<1x1x1000x128xf32>
    %get3A_149 = vector.shape_cast %get3A_148 : vector<1x1x1000x128xf32> to vector<1000x128xf32>
    %get3A_150 = arith.constant 7 : index
    %get3A_151 = arith.constant 1 : index
    %get3A_152 = arith.constant 0 : index
    %get3A_153 = arith.constant 0 : index
    %get3A_154 = vector.load %arg2[%get3A_150, %get3A_151, %get3A_152, %get3A_153] : memref<9x2x1000x128xf32, #tpu.memory_space<vmem>>, vector<1x1x1000x128xf32>
    %get3A_155 = vector.shape_cast %get3A_154 : vector<1x1x1000x128xf32> to vector<1000x128xf32>
    %add3A_156 = arith.addf %get3A_149, %get3A_155 : vector<1000x128xf32>
    %get3A_157 = arith.constant 0 : index
    %get3A_158 = arith.constant 0 : index
    %get3A_159 = vector.load %arg4[%get3A_157, %get3A_158] : memref<128x256xf32, #tpu.memory_space<vmem>>, vector<128x256xf32>
    %dot_general3A_160 = arith.constant dense<0.000000e+00> : vector<1000x256xf32>
    %dot_general3A_161 = tpu.matmul %add3A_156, %get3A_159, %dot_general3A_160 {dimension_numbers = #tpu.dot_dimension_numbers<[1], [0], [0], [1], [0, 0, 1, 1], [], []>, transpose_lhs_hint = false} : vector<1000x128xf32>, vector<128x256xf32>, vector<1000x256xf32> -> vector<1000x256xf32>
    %slice3A_162 = vector.extract_strided_slice %dot_general3A_161 {offsets = [0, 0], sizes = [1000, 128], strides = [1, 1]} : vector<1000x256xf32> to vector<1000x128xf32>
    %slice3A_163 = vector.extract_strided_slice %dot_general3A_161 {offsets = [0, 128], sizes = [1000, 128], strides = [1, 1]} : vector<1000x256xf32> to vector<1000x128xf32>
    %mul3A_164 = arith.mulf %slice3A_162, %slice3A_163 : vector<1000x128xf32>
    %add3A_165 = arith.addf %add3A_143, %mul3A_164 : vector<1000x128xf32>
    %get3A_166 = arith.constant 8 : index
    %get3A_167 = arith.constant 0 : index
    %get3A_168 = arith.constant 0 : index
    %get3A_169 = arith.constant 0 : index
    %get3A_170 = vector.load %arg2[%get3A_166, %get3A_167, %get3A_168, %get3A_169] : memref<9x2x1000x128xf32, #tpu.memory_space<vmem>>, vector<1x1x1000x128xf32>
    %get3A_171 = vector.shape_cast %get3A_170 : vector<1x1x1000x128xf32> to vector<1000x128xf32>
    %get3A_172 = arith.constant 8 : index
    %get3A_173 = arith.constant 1 : index
    %get3A_174 = arith.constant 0 : index
    %get3A_175 = arith.constant 0 : index
    %get3A_176 = vector.load %arg2[%get3A_172, %get3A_173, %get3A_174, %get3A_175] : memref<9x2x1000x128xf32, #tpu.memory_space<vmem>>, vector<1x1x1000x128xf32>
    %get3A_177 = vector.shape_cast %get3A_176 : vector<1x1x1000x128xf32> to vector<1000x128xf32>
    %add3A_178 = arith.addf %get3A_171, %get3A_177 : vector<1000x128xf32>
    %get3A_179 = arith.constant 0 : index
    %get3A_180 = arith.constant 0 : index
    %get3A_181 = vector.load %arg4[%get3A_179, %get3A_180] : memref<128x256xf32, #tpu.memory_space<vmem>>, vector<128x256xf32>
    %dot_general3A_182 = arith.constant dense<0.000000e+00> : vector<1000x256xf32>
    %dot_general3A_183 = tpu.matmul %add3A_178, %get3A_181, %dot_general3A_182 {dimension_numbers = #tpu.dot_dimension_numbers<[1], [0], [0], [1], [0, 0, 1, 1], [], []>, transpose_lhs_hint = false} : vector<1000x128xf32>, vector<128x256xf32>, vector<1000x256xf32> -> vector<1000x256xf32>
    %slice3A_184 = vector.extract_strided_slice %dot_general3A_183 {offsets = [0, 0], sizes = [1000, 128], strides = [1, 1]} : vector<1000x256xf32> to vector<1000x128xf32>
    %slice3A_185 = vector.extract_strided_slice %dot_general3A_183 {offsets = [0, 128], sizes = [1000, 128], strides = [1, 1]} : vector<1000x256xf32> to vector<1000x128xf32>
    %mul3A_186 = arith.mulf %slice3A_184, %slice3A_185 : vector<1000x128xf32>
    %add3A_187 = arith.addf %add3A_165, %mul3A_186 : vector<1000x128xf32>
    %logistic3A = arith.negf %add3A_187 : vector<1000x128xf32>
    %logistic3A_188 = math.exp %logistic3A : vector<1000x128xf32>
    %logistic3A_189 = arith.constant 1.000000e+00 : f32
    %logistic3A_190 = vector.broadcast %logistic3A_189 : f32 to vector<1000x128xf32>
    %logistic3A_191 = arith.addf %logistic3A_190, %logistic3A_188 : vector<1000x128xf32>
    %logistic3A_192 = arith.divf %logistic3A_190, %logistic3A_191 : vector<1000x128xf32>
    %mul3A_193 = arith.mulf %add3A_187, %logistic3A_192 : vector<1000x128xf32>
    %get3A_194 = arith.constant 0 : index
    %get3A_195 = arith.constant 0 : index
    %get3A_196 = vector.load %arg5[%get3A_194, %get3A_195] : memref<128x128xf32, #tpu.memory_space<vmem>>, vector<128x128xf32>
    %dot_general3A_197 = arith.constant dense<0.000000e+00> : vector<1000x128xf32>
    %dot_general3A_198 = tpu.matmul %mul3A_193, %get3A_196, %dot_general3A_197 {dimension_numbers = #tpu.dot_dimension_numbers<[1], [0], [0], [1], [0, 0, 1, 1], [], []>, transpose_lhs_hint = false} : vector<1000x128xf32>, vector<128x128xf32>, vector<1000x128xf32> -> vector<1000x128xf32>
    %get3A_199 = arith.constant 0 : index
    %get3A_200 = vector.load %arg6[%get3A_199] : memref<128xf32, #tpu.memory_space<vmem>>, vector<128xf32>
    %broadcast_in_dim3A = vector.shape_cast %get3A_200 : vector<128xf32> to vector<1x128xf32>
    %add3A_201 = vector.broadcast %broadcast_in_dim3A : vector<1x128xf32> to vector<1000x128xf32>
    %add3A_202 = arith.addf %dot_general3A_198, %add3A_201 : vector<1000x128xf32>
    %logistic3A_203 = arith.negf %add3A_202 : vector<1000x128xf32>
    %logistic3A_204 = math.exp %logistic3A_203 : vector<1000x128xf32>
    %logistic3A_205 = arith.constant 1.000000e+00 : f32
    %logistic3A_206 = vector.broadcast %logistic3A_205 : f32 to vector<1000x128xf32>
    %logistic3A_207 = arith.addf %logistic3A_206, %logistic3A_204 : vector<1000x128xf32>
    %logistic3A_208 = arith.divf %logistic3A_206, %logistic3A_207 : vector<1000x128xf32>
    %mul3A_209 = arith.mulf %add3A_202, %logistic3A_208 : vector<1000x128xf32>
    %get3A_210 = arith.constant 0 : index
    %get3A_211 = arith.constant 0 : index
    %get3A_212 = vector.load %arg7[%get3A_210, %get3A_211] : memref<128x128xf32, #tpu.memory_space<vmem>>, vector<128x128xf32>
    %dot_general3A_213 = arith.constant dense<0.000000e+00> : vector<1000x128xf32>
    %dot_general3A_214 = tpu.matmul %mul3A_209, %get3A_212, %dot_general3A_213 {dimension_numbers = #tpu.dot_dimension_numbers<[1], [0], [0], [1], [0, 0, 1, 1], [], []>, transpose_lhs_hint = false} : vector<1000x128xf32>, vector<128x128xf32>, vector<1000x128xf32> -> vector<1000x128xf32>
    %get3A_215 = arith.constant 0 : index
    %get3A_216 = vector.load %arg8[%get3A_215] : memref<128xf32, #tpu.memory_space<vmem>>, vector<128xf32>
    %broadcast_in_dim3A_217 = vector.shape_cast %get3A_216 : vector<128xf32> to vector<1x128xf32>
    %add3A_218 = vector.broadcast %broadcast_in_dim3A_217 : vector<1x128xf32> to vector<1000x128xf32>
    %add3A_219 = arith.addf %dot_general3A_214, %add3A_218 : vector<1000x128xf32>
    %add3A_220 = arith.addf %add3A_187, %add3A_219 : vector<1000x128xf32>
    %logistic3A_221 = arith.negf %add3A_220 : vector<1000x128xf32>
    %logistic3A_222 = math.exp %logistic3A_221 : vector<1000x128xf32>
    %logistic3A_223 = arith.constant 1.000000e+00 : f32
    %logistic3A_224 = vector.broadcast %logistic3A_223 : f32 to vector<1000x128xf32>
    %logistic3A_225 = arith.addf %logistic3A_224, %logistic3A_222 : vector<1000x128xf32>
    %logistic3A_226 = arith.divf %logistic3A_224, %logistic3A_225 : vector<1000x128xf32>
    %mul3A_227 = arith.mulf %add3A_220, %logistic3A_226 : vector<1000x128xf32>
    %get3A_228 = arith.constant 0 : index
    %get3A_229 = arith.constant 0 : index
    %get3A_230 = vector.load %arg9[%get3A_228, %get3A_229] : memref<128x128xf32, #tpu.memory_space<vmem>>, vector<128x128xf32>
    %dot_general3A_231 = arith.constant dense<0.000000e+00> : vector<1000x128xf32>
    %dot_general3A_232 = tpu.matmul %mul3A_227, %get3A_230, %dot_general3A_231 {dimension_numbers = #tpu.dot_dimension_numbers<[1], [0], [0], [1], [0, 0, 1, 1], [], []>, transpose_lhs_hint = false} : vector<1000x128xf32>, vector<128x128xf32>, vector<1000x128xf32> -> vector<1000x128xf32>
    %get3A_233 = arith.constant 0 : index
    %get3A_234 = vector.load %arg10[%get3A_233] : memref<128xf32, #tpu.memory_space<vmem>>, vector<128xf32>
    %broadcast_in_dim3A_235 = vector.shape_cast %get3A_234 : vector<128xf32> to vector<1x128xf32>
    %add3A_236 = vector.broadcast %broadcast_in_dim3A_235 : vector<1x128xf32> to vector<1000x128xf32>
    %add3A_237 = arith.addf %dot_general3A_232, %add3A_236 : vector<1000x128xf32>
    %swap3A = arith.constant 0 : index
    %swap3A_238 = arith.constant 0 : index
    %swap3A_239 = vector.load %arg11[%swap3A, %swap3A_238] : memref<1000x128xf32, #tpu.memory_space<vmem>>, vector<1000x128xf32>
    tpu.vector_store %arg11[%swap3A, %swap3A_238], %add3A_237 {strides = array<i32>} : memref<1000x128xf32, #tpu.memory_space<vmem>>, vector<1000x128xf32>,
    return
  }
  func.func @transform_0(%arg0: i32) -> (i32, i32) {
    %c0_i32 = arith.constant 0 : i32
    %c0_i32_0 = arith.constant 0 : i32
    return %arg0, %c0_i32 : i32, i32
  }
  func.func @transform_1(%arg0: i32) -> (i32, i32, i32, i32) {
    %c0_i32 = arith.constant 0 : i32
    %c0_i32_0 = arith.constant 0 : i32
    %c0_i32_1 = arith.constant 0 : i32
    %c0_i32_2 = arith.constant 0 : i32
    return %c0_i32, %c0_i32_0, %arg0, %c0_i32_1 : i32, i32, i32, i32
  }
  func.func @transform_2(%arg0: i32) -> (i32, i32) {
    %c0_i32 = arith.constant 0 : i32
    %c0_i32_0 = arith.constant 0 : i32
    %c0_i32_1 = arith.constant 0 : i32
    return %c0_i32, %c0_i32_0 : i32, i32
  }
  func.func @transform_3(%arg0: i32) -> (i32, i32) {
    %c0_i32 = arith.constant 0 : i32
    %c0_i32_0 = arith.constant 0 : i32
    %c0_i32_1 = arith.constant 0 : i32
    return %c0_i32, %c0_i32_0 : i32, i32
  }
  func.func @transform_4(%arg0: i32) -> (i32, i32) {
    %c0_i32 = arith.constant 0 : i32
    %c0_i32_0 = arith.constant 0 : i32
    %c0_i32_1 = arith.constant 0 : i32
    return %c0_i32, %c0_i32_0 : i32, i32
  }
  func.func @transform_5(%arg0: i32) -> i32 {
    %c0_i32 = arith.constant 0 : i32
    %c0_i32_0 = arith.constant 0 : i32
    return %c0_i32 : i32
  }
  func.func @transform_6(%arg0: i32) -> (i32, i32) {
    %c0_i32 = arith.constant 0 : i32
    %c0_i32_0 = arith.constant 0 : i32
    %c0_i32_1 = arith.constant 0 : i32
    return %c0_i32, %c0_i32_0 : i32, i32
  }
  func.func @transform_7(%arg0: i32) -> i32 {
    %c0_i32 = arith.constant 0 : i32
    %c0_i32_0 = arith.constant 0 : i32
    return %c0_i32 : i32
  }
  func.func @transform_8(%arg0: i32) -> (i32, i32) {
    %c0_i32 = arith.constant 0 : i32
    %c0_i32_0 = arith.constant 0 : i32
    %c0_i32_1 = arith.constant 0 : i32
    return %c0_i32, %c0_i32_0 : i32, i32
  }
  func.func @transform_9(%arg0: i32) -> i32 {
    %c0_i32 = arith.constant 0 : i32
    %c0_i32_0 = arith.constant 0 : i32
    return %c0_i32 : i32
  }
  func.func @transform_10(%arg0: i32) -> (i32, i32) {
    %c0_i32 = arith.constant 0 : i32
    %c0_i32_0 = arith.constant 0 : i32
    return %arg0, %c0_i32 : i32, i32
  }
}

</mosaic_0001>

<sc_bundles>
// kernel: kernel.6.cloned.1.call-start
scs
__scs_entry_jumppad:
0x0: {  	(pc) =	sbr.rel $0x88, $3  }
0x1: {  	(tag) =	ssettag $0x0;
	lr =	simm.s32 $0x1  }
0x2: {  	[smem:$0x3F78] =	sst lr;
	_ =	strace $0xD0000000  }
0x3: {  	_ = 	snop  }
0x4: {  	_ = 	snop  }
0x5: {  	_ = 	snop  }
0x6: {  	_ = 	snop  }
0x7: {  	_ = 	snop  }
__scs_overlays_trampoline_lowered:
0x8: {  	[smem:$0x3F87] =	sst s0  }
0x9: {  	[smem:$0x3F88] =	sst s1  }
0xa: {  	[smem:$0x3F89] =	sst s2  }
0xb: {  	[smem:$0x3F8A] =	sst s3  }
0xc: {  	[smem:$0x3F8B] =	sst s4  }
0xd: {  	[smem:$0x3F8C] =	sst s5  }
0xe: {  	[smem:$0x3F8D] =	sst s6  }
0xf: {  	[smem:$0x3F8E] =	sst s7  }
0x10: {  	[smem:$0x3F8F] =	sst s8  }
0x11: {  	[smem:$0x3F90] =	sst s9;
	s0 =	simm.s32 @!p0 $0x0  }
0x12: {  	s1 =	sld [smem:$0x3F76];
	s0 =	simm.s32 @p0 $0x1  }
0x13: {  	[smem:$0x3F91] =	sst s0;
	s0 =	simm.s32 @!p1 $0x0  }
0x14: {  	s2 =	sld [smem:$0x3F75];
	s0 =	simm.s32 @p1 $0x1  }
0x15: {  	[smem:$0x3F92] =	sst s0;
	s0 =	simm.s32 @!p2 $0x0  }
0x16: {  	s3 =	sld [smem:$0x3FDB];
	s0 =	simm.s32 @p2 $0x1  }
0x17: {  	s4 =	simm.s32 $0x1BF5;
	[smem:$0x3F94] =	sst s0  }
0x18: {  	s0 =	sld [smem:$0x3F77];
	_ =	swait.ge [sflag:s4], $0x0  }
0x19: {  	s7 =	sld [smem:$0x3F78]  }
0x1a: {  	s8 =	sadd.s32 $0xFFFFE003, lr  }
0x1b: {  	s9 =	sadd.s32 $0xFFFFFEF7, lr;
	s5 =	simm.s32 $0xFFFFFFFF;
	p2 =	slt.u32 s8, $0xFFFFF086  }
0x1c: {  	p1 =	slt.u32 s9, $0xF7A;
	s5 =	simm.s32 @!p2 $0x0  }
0x1d: {  	s5 =	simm.s32 @p1 $0x1;
	p0 =	seq.s32 s7, s2  }
0x1e: {  	s7 =	smul.u32 @!p0 $0xF7A, s2;
	p2 =	seq.s32 @!p0 s5, $0x0  }
0x1f: {  	s9 =	smul.u32 $0xF7A, s1;
	s8 =	simm.s32 @!p0 $0x1BF5;
	p2 =	por !p2, p0  }
0x20: {  	[sflag:s8] =	ssyncset.s32 @!p0 $0xFFFFF086;
	s6 =	sadd.s32 @!p0 s3, s7;
	s7 =	simm.s32 @!p0 $0x108  }
0x21: {  	s3 =	sadd.s32 s3, s9;
	s6 =	sadd.s32 @!p0 $0x88, s6;
	s7 =	simm.s32 @p2 $0x1082  }
0x22: {  	[simem:s7], [sflag:s8] =	dma.local @!p0 [hbm:s6], $0xF7A  }
0x23: {  	s9 =	sor.u32 $0xD0000000, s2;
	s6 =	simm.s32 $0x108;
	_ =	swait.ge @!p0 [sflag:s8], $0x0  }
0x24: {  	s3 =	sadd.s32 $0x88, s3;
	s6 =	simm.s32 @!p1 $0x1082;
	[sflag:s4] =	ssyncset.s32 $0xFFFFF086  }
0x25: {  	[simem:s6], [sflag:s4] =	dma.local [hbm:s3], $0xF7A  }
0x26: {  	[smem:$0x3F78] =	sst s1;
	(tag) =	ssettag s2;
	_ =	strace s9  }
0x27: {  	s1 =	sld [smem:$0x3F88]  }
0x28: {  	s2 =	sld [smem:$0x3F89]  }
0x29: {  	s4 =	sld [smem:$0x3F8B]  }
0x2a: {  	p0 =	seq.s32 s5, $0x0;
	s5 =	sld [smem:$0x3F8C]  }
0x2b: {  	s6 =	sld [smem:$0x3F8D]  }
0x2c: {  	s7 =	sld [smem:$0x3F8E]  }
0x2d: {  	s3 =	simm.s32 $0x108;
	s8 =	sld [smem:$0x3F8F]  }
0x2e: {  	s3 =	simm.s32 @!p0 $0x1082;
	s9 =	sld [smem:$0x3F90]  }
0x2f: {  	lr =	sadd.s32 s0, s3;
	s0 =	sld [smem:$0x3F87]  }
0x30: {  	s3 =	sld [smem:$0x3F8A]  }
0x31: {  	[smem:$0x3F93] =	sst s10  }
0x32: {  	s10 =	sld [smem:$0x3F91];
	_ =	sdelay $0x3  }
0x33: {  	p0 =	seq.s32 s10, $0x1;
	s10 =	sld [smem:$0x3F93];
	_ =	sdelay $0x3  }
0x34: {  	[smem:$0x3F93] =	sst s10  }
0x35: {  	s10 =	sld [smem:$0x3F92];
	_ =	sdelay $0x3  }
0x36: {  	p1 =	seq.s32 s10, $0x1;
	s10 =	sld [smem:$0x3F93];
	_ =	sdelay $0x3  }
0x37: {  	[smem:$0x3F93] =	sst s10  }
0x38: {  	s10 =	sld [smem:$0x3F94]  }
0x39: {  	_ = 	snop;
	(pc) =	sbr.ind lr, $3  }
0x3a: {  	_ = 	snop  }
0x3b: {  	_ = 	snop  }
0x3c: {  	p2 =	seq.s32 s10, $0x1;
	s10 =	sld [smem:$0x3F93]  }
0x3d: {  	_ =	shalt  }
0x3e: {  	_ =	shalt  }
0x3f: {  	_ =	shalt  }
0x40: {  	_ =	shalt  }
0x41: {  	_ =	shalt  }
0x42: {  	_ =	shalt  }
0x43: {  	_ =	shalt  }
0x44: {  	_ =	shalt  }
0x45: {  	_ =	shalt  }
0x46: {  	_ =	shalt  }
0x47: {  	_ =	shalt  }
0x48: {  	_ =	shalt  }
0x49: {  	_ =	shalt  }
0x4a: {  	_ =	shalt  }
0x4b: {  	_ =	shalt  }
0x4c: {  	_ =	shalt  }
0x4d: {  	_ =	shalt  }
0x4e: {  	_ =	shalt  }
0x4f: {  	_ =	shalt  }
0x50: {  	_ =	shalt  }
0x51: {  	_ =	shalt  }
0x52: {  	_ =	shalt  }
0x53: {  	_ =	shalt  }
0x54: {  	_ =	shalt  }
0x55: {  	_ =	shalt  }
0x56: {  	_ =	shalt  }
0x57: {  	_ =	shalt  }
0x58: {  	_ =	shalt  }
0x59: {  	_ =	shalt  }
0x5a: {  	_ =	shalt  }
0x5b: {  	_ =	shalt  }
0x5c: {  	_ =	shalt  }
0x5d: {  	_ =	shalt  }
0x5e: {  	_ =	shalt  }
0x5f: {  	_ =	shalt  }
0x60: {  	_ =	shalt  }
0x61: {  	_ =	shalt  }
0x62: {  	_ =	shalt  }
0x63: {  	_ =	shalt  }
0x64: {  	_ =	shalt  }
0x65: {  	_ =	shalt  }
0x66: {  	_ =	shalt  }
0x67: {  	_ =	shalt  }
0x68: {  	_ =	shalt  }
0x69: {  	_ =	shalt  }
0x6a: {  	_ =	shalt  }
0x6b: {  	_ =	shalt  }
0x6c: {  	_ =	shalt  }
0x6d: {  	_ =	shalt  }
0x6e: {  	_ =	shalt  }
0x6f: {  	_ =	shalt  }
0x70: {  	_ =	shalt  }
0x71: {  	_ =	shalt  }
0x72: {  	_ =	shalt  }
0x73: {  	_ =	shalt  }
0x74: {  	_ =	shalt  }
0x75: {  	_ =	shalt  }
0x76: {  	_ =	shalt  }
0x77: {  	_ =	shalt  }
0x78: {  	_ =	shalt  }
0x79: {  	_ =	shalt  }
0x7a: {  	_ =	shalt  }
0x7b: {  	_ =	shalt  }
0x7c: {  	_ =	shalt  }
0x7d: {  	_ =	shalt  }
0x7e: {  	_ =	shalt  }
0x7f: {  	_ =	shalt  }
0x80: {  	_ =	shalt  }
0x81: {  	_ =	shalt  }
0x82: {  	_ =	shalt  }
0x83: {  	_ =	shalt  }
0x84: {  	_ =	shalt  }
0x85: {  	_ =	shalt  }
0x86: {  	_ =	shalt  }
0x87: {  	_ =	shalt  }
.Lfunc_end0:
.L_simem_size_0:
called_computation_lowered:
.L_overlay_start_0:
0x88: {  	s2 =	sld [smem:$0x3FD9]  }
0x89: {  	s3 =	sld [smem:$0x3FFE];
	_ =	sdelay $0x1  }
0x8a: {  	s1 =	srdreg.scid  }
0x8b: {  	s0 =	sand.u32 $0x1, s1  }
0x8c: {  	s16 =	sshll.u32 s0, $0xA;
	s2 =	sadd.s32 s3, s2  }
0x8d: {  	s2 =	sadd.s32 s2, s16  }
0x8e: {  	[smem:$0x3F9F] =	sst s2  }
0x8f: {  	_ = 	snop  }
0x90: {  	(tm) =	ssettm $0x1  }
0x91: {  	s17 =	sld [smem:$0x3FFB];
	_ =	sdelay $0x3  }
0x92: {  	_ =	strace s17  }
0x93: {  	s2 =	sld [smem:$0x3FFC];
	_ =	sdelay $0x3  }
0x94: {  	_ =	strace s2  }
0x95: {  	s2 =	sld [smem:$0x3FFD];
	_ =	sdelay $0x3  }
0x96: {  	_ =	strace s2  }
0x97: {  	_ =	strace $0x8FFFFFFF  }
0x98: {  	s18 =	sld [smem:$0x3FDB];
	_ =	sdelay $0x1  }
0x99: {  	s19 =	simm.s32 $_scs_section_size  }
0x9a: {  	s4 =	simm.s32 $_size__tile_overlayer_lowered;
	s5 =	simm.s32 $_tile_overlayer_lowered  }
0x9b: {  	s22 =	simm.s32 $0x1BFF;
	s21 =	sshll.u32 s5, $0x1;
	s2 =	sadd.s32 s19, s18  }
0x9c: {  	s6 =	simm.s32 $0x0;
	s20 =	sshll.u32 s4, $0x1;
	s4 =	sadd.s32 s21, s2  }
0x9d: {  	[timem:s6], [sflag:s22] =	dma.local [hbm:s4], s20  }
0x9e: {  	_ =	swait.ge [sflag:s22], s20  }
0x9f: {  	s3 =	ssub.s32 $0x0, s20;
	[sflag:s22] =	ssyncset.done $0x0  }
0xa0: {  	[sflag:s22] =	ssyncadd.s32 s3;
	_ =	sdelay $0x1  }
0xa1: {  	s23 =	simm.s32 $0x1B8B  }
0xa2: {  	_ =	swait.ge [sflag:s23], $0x1  }
0xa3: {  	[sflag:s23] =	ssyncset.done $0x0  }
0xa4: {  	s25 =	simm.s32 $0x1B8E;
	s24 =	sld [smem:$0x3FFE];
	[sflag:s23] =	ssyncadd.s32 $0xFFFFFFFF  }
0xa5: {  	s26 =	simm.s32 $execute0_lowered;
	[smem:$0x3FD2] =	sst s25  }
0xa6: {  	s4 =	sshll.u32 s26, $0x1;
	_ =	strace $0x80000046;
	[dreg:$0x1] =	wrdreg $0xFFFFFFFF  }
0xa7: {  	s28 =	simm.s32 $_size_execute0_lowered;
	s2 =	sadd.s32 s2, s4;
	[dreg:$0x0] =	wrdreg $0x0  }
0xa8: {  	s4 =	sshll.u32 s28, $0x1;
	[dreg:$0x2] =	wrdreg s2  }
0xa9: {  	[dreg:$0x3] =	wrdreg s4  }
0xaa: {  	[dreg:$0x4] =	wrdreg $0xC0  }
0xab: {  	_ =	task [dreg:s6], $0x5FFFF  }
0xac: {  	[dreg:$0x1] =	wrdreg $0xFFFFFFFF  }
0xad: {  	[dreg:$0x0] =	wrdreg $0x60  }
0xae: {  	[dreg:$0x2] =	wrdreg s24  }
0xaf: {  	[dreg:$0x3] =	wrdreg $0x0  }
0xb0: {  	[dreg:$0x4] =	wrdreg $0x9  }
0xb1: {  	_ =	task.clear_ibuf [dreg:s6], $0x5FFFF;
	_ =	strace $0x90000046  }
0xb2: {  	s29 =	simm.s32 $0x9;
	_ =	strace $0x80000048  }
0xb3: {  	_ =	swait.ge [sflag:s29], $0x1  }
0xb4: {  	[sflag:s29] =	ssyncadd.s32 $0xFFFFFFFF  }
0xb5: {  	_ =	strace $0x90000048  }
0xb6: {  	_ =	sfence  }
0xb7: {  	s30 =	sld [smem:$0x0];
	_ =	sdelay $0x2  }
0xb8: {  	s31 =	sshll.u32 s1, $0xD;
	s1 =	sshrl.u32 s1, $0x2  }
0xb9: {  	s3 =	sand.u32 $0x4000, s31;
	s1 =	sadd.s32 s1, s30  }
0xba: {  	s0 =	sor.u32 s3, s0;
	s1 =	sshll.u32 s1, $0x11  }
0xbb: {  	s0 =	sor.u32 s1, s0  }
0xbc: {  	s0 =	sadd.s32 $0x8F2B, s0  }
0xbd: {  	[sflag:s0] =	ssyncadd.remote.s32 $0x1  }
0xbe: {  	_ =	sfence.sel $0xFFFF  }
0xbf: {  	[dreg:$0x0] =	wrdreg $0xFFFFFFFF;
	(pc) =	sbr.abs _section_cstart, $3  }
0xc0: {  	[dreg:$0x1] =	wrdreg $0xFFFFFFFF  }
0xc1: {  	_ =	task.clear_ibuf [dreg:s6], $0x2FFFF;
	_ =	strace $0x9FFFFFFF  }
0xc2: {  	(tm) =	ssettm $0x7FFFFFFF  }
0xc3: {  	_ =	shalt  }
tec
execute0_lowered:
.L_overlay_start_1:
0x0: {  	(tag) =	ssettag $0x1  }
0x1: {  	s0 =	rddreg [dreg:$0x0]  }
0x2: {  	s1 =	rddreg [dreg:$0x1];
	s2 =	srdreg.scid;
	s9 =	simm.s32 $0x0  }
0x3: {  	s12 =	stileid.u32;
	s16 =	simm.s32 $0x13880;
	s17 =	simm.s32 $0x3  }
0x4: {  	s18 =	simm.s32 $0x14880;
	s19 =	simm.s32 $0x50;
	s20 =	simm.s32 $0x15880  }
0x5: {  	s21 =	simm.s32 $0x1A880;
	s28 =	simm.s32 $0x2;
	s29 =	simm.s32 $0x14480  }
0x6: {  	s14 =	simm.s32 $0x0;
	s2 =	sand.u32 $0x1, s2;
	s4 =	sadd.s32 $0xED9C00, s0  }
0x7: {  	[smem:$0x7FF] =	sst s9;
	s5 =	sadd.s32 $0x6400, s0;
	s6 =	sadd.s32 $0xEB1C00, s0  }
0x8: {  	s8 =	sadd.s32 $0xEC5C00, s0;
	s22 =	sadd.s32 $0x7B800, s0;
	s23 =	smul.u32 $0x4E000, s12  }
0x9: {  	s10 =	sadd.s32 $0xA2A00, s0;
	s30 =	smul.u32 $0x13800, s12;
	p0 =	sne.s32 s12, $0x0  }
0xa: {  	p1 =	sne.s32 s12, $0xF;
	_ =	strace $0x80000047;
	[dreg:$0x4] =	wrdreg s5  }
0xb: {  	s3 =	sshll.u32 s2, $0x4;
	[dreg:$0x5] =	wrdreg s22;
	s24 =	ssub.s32 $0x2, s2  }
0xc: {  	s2 =	smul.u32 $0x138800, s2;
	s22 =	simm.s32 $0x18080;
	s3 =	sor.u32 s12, s3  }
0xd: {  	s25 =	sshrl.u32 s24, $0x1;
	s26 =	sshrl.u32 s23, $0x2;
	[dreg:$0x7] =	wrdreg s30  }
0xe: {  	s23 =	simm.s32 $0x1D080;
	s7 =	smul.u32 $0x2710, s3;
	s0 =	ssub.s32 s24, s25  }
0xf: {  	[dreg:$0x6] =	wrdreg s2;
	s2 =	sadd.s32 s26, s1;
	s0 =	smax.u32 s0, $0x1  }
0x10: {  	s11 =	smul.u32 $0x5000, s3;
	s31 =	sshrl.u32 s2, $0x3;
	[dreg:$0x8] =	wrdreg s0  }
0x11: {  	s3 =	sadd.s32 $0x138000, s1;
	s0 =	sshrl.u32 @!p0 s1, $0x3;
	[dreg:$0xa] =	wrdreg s31  }
0x12: {  	s26 =	simm.s32 $0x1;
	s25 =	sshrl.u32 @!p1 s3, $0x3;
	[dreg:$0x9] =	wrdreg s0  }
.LBB2_1:
0x13: {  	[dreg:$0x3] =	wrdreg s9;
	s30 =	simm.s32 $0x0  }
.LBB2_2:
0x14: {  	s2 =	rddreg [dreg:$0x5]  }
0x15: {  	s0 =	simm.s32 @!p0 $0x1C03;
	s3 =	rddreg [dreg:$0x9]  }
0x16: {  	[spmem:s3], [sflag:s0] =	dma.local @!p0 [hbm:s2], $0x27100  }
0x17: {  	s0 =	simm.s32 @!p0 $0x3  }
0x18: {  	_ =	swait.ge @!p0 [sflag:s0], $0x27100  }
0x19: {  	[sflag:s0] =	ssyncset.done @!p0 $0x0  }
0x1a: {  	p2 =	slt.u32 s30, $0x4;
	s2 =	simm.s32 $0x27100;
	[sflag:s0] =	ssyncadd.s32 @!p0 $0xFFFD8F00  }
0x1b: {  	p3 =	seq.s32 s30, $0x0;
	s2 =	simm.s32 @!p2 $0x4E200;
	[bflag:$0x0] =	sbarrier.arrive $0xFFFF  }
0x1c: {  	s2 =	simm.s32 @p3 $0x0;
	s24 =	rddreg [dreg:$0x4]  }
0x1d: {  	s0 =	smul.u32 $0x2710000, s30;
	s31 =	sadd.s32 s24, s2;
	s2 =	simm.s32 $0x0  }
.LBB2_3:
0x1e: {  	s3 =	sshll.u32 s2, $0xC  }
0x1f: {  	s3 =	sadd.s32 s11, s3  }
0x20: {  	s3 =	sshrl.u32 s3, $0x3  }
0x21: {  	s5 =	sadd.s32 s6, s3  }
0x22: {  	[tilespmem:s16], [sflag:$0x3] =	stream.linear.gather [hbm4b:s5+s14], $0xC80, $0x38;
	[tilespmem:$0x1F880] =	vst v63  }
0x23: {  	_ =	swait.ge [sflag:s17], $0xC80  }
0x24: {  	[sflag:s17] =	ssyncset.done $0x0  }
0x25: {  	s15 =	smul.u32 $0x7D0, s2;
	s3 =	sadd.s32 s8, s3;
	[sflag:s17] =	ssyncadd.s32 $0xFFFFF380  }
0x26: {  	[tilespmem:s18], [sflag:$0x3] =	stream.linear.gather [hbm4b:s3+s14], $0xC80, $0x38;
	[tilespmem:$0x1F880] =	vst v63  }
0x27: {  	s3 =	sadd.s32 s7, s15  }
0x28: {  	_ =	swait.ge [sflag:s17], $0xC80;
	s24 =	sshll.u32 s3, $0x7  }
0x29: {  	[sflag:s17] =	ssyncset.done $0x0;
	s5 =	sadd.s32 s0, s24  }
0x2a: {  	[sflag:s17] =	ssyncadd.s32 $0xFFFFF380;
	s5 =	sshrl.u32 s5, $0x3  }
0x2b: {  	[tilespmem:s20], [sflag:$0x1] =	stream.indirect.gather [hbm4b:s31+s19], $0x80, s18, s19, $0xb8;
	[tilespmem:$0x1F880] =	vst v63  }
0x2c: {  	s5 =	sadd.s32 s4, s5  }
0x2d: {  	[tilespmem:s21], [sflag:$0x1] =	stream.linear.gather [hbm4b:s5+s14], $0x2800, $0x38;
	[tilespmem:$0x1F880] =	vst v63  }
0x2e: {  	s5 =	simm.s32 $0x0  }
.LBB2_4:
0x2f: {  	s12 =	sshllo.u32 s5, $0x1  }
0x30: {  	s9 =	sshll.u32 s12, $0x7  }
0x31: {  	s12 =	smul.u32 $0x50, s12;
	s13 =	sadd.s32 $0x14880, s9  }
0x32: {  	[tilespmem:s22], [sflag:$0x2] =	stream.indirect.gather [hbm4b:s31+s19], $0x80, s13, s19, $0xb8;
	[tilespmem:$0x1F880] =	vst v63  }
0x33: {  	s12 =	sadd.s32 s3, s12  }
0x34: {  	s12 =	sshll.u32 s12, $0x7  }
0x35: {  	s12 =	sadd.s32 s0, s12  }
0x36: {  	s12 =	sshrl.u32 s12, $0x3  }
0x37: {  	s24 =	simm.s32 $0x0;
	s12 =	sadd.s32 s4, s12  }
0x38: {  	[tilespmem:s23], [sflag:$0x2] =	stream.linear.gather [hbm4b:s12+s24], $0x2800, $0x38;
	[tilespmem:$0x1F880] =	vst v63  }
0x39: {  	_ =	swait.ge [sflag:s26], $0x2800  }
0x3a: {  	[sflag:s26] =	ssyncset.done $0x0  }
0x3b: {  	[sflag:s26] =	ssyncadd.s32 $0xFFFFD800  }
0x3c: {  	_ =	swait.ge [sflag:s26], $0x2800  }
0x3d: {  	[sflag:s26] =	ssyncset.done $0x0  }
0x3e: {  	s12 =	simm.s32 $0x0;
	[sflag:s26] =	ssyncadd.s32 $0xFFFFD800  }
0x3f: {  	v7 =	vld [tilespmem:s12+$0x1A880]  }
0x40: {  	v11 =	vld [tilespmem:s12+$0x1A890]  }
0x41: {  	v5 =	vld [tilespmem:s12+$0x1A8A0]  }
0x42: {  	v4 =	vld [tilespmem:s12+$0x1A8B0]  }
0x43: {  	v3 =	vld [tilespmem:s12+$0x1A8C0]  }
0x44: {  	v2 =	vld [tilespmem:s12+$0x1A8D0]  }
0x45: {  	v1 =	vld [tilespmem:s12+$0x1A8E0]  }
0x46: {  	v0 =	vld [tilespmem:s12+$0x1A8F0]  }
0x47: {  	v12 =	vld [tilespmem:s12+$0x15880]  }
0x48: {  	v13 =	vld [tilespmem:s12+$0x15890]  }
0x49: {  	v10 =	vld [tilespmem:s12+$0x158A0]  }
0x4a: {  	v9 =	vld [tilespmem:s12+$0x158B0]  }
0x4b: {  	v8 =	vld [tilespmem:s12+$0x158C0]  }
0x4c: {  	v6 =	vld [tilespmem:s12+$0x158D0];
	v12 =	vmul.f32 v12, v7  }
0x4d: {  	s15 =	simm.s32 $0x200;
	s13 =	sshll.u32 s5, $0x1;
	v11 =	vmul.f32 v13, v11;
	v7 =	vld [tilespmem:s12+$0x158E0]  }
.LBB2_5:
0x4e: {  	s24 =	sshra.s32 s15, $0x2;
	p2 =	sne.s32 s15, $0x9E00;
	[tilespmem:s12+$0x15880] =	vst v12;
	v5 =	vmul.f32 v10, v5;
	v10 =	vld [tilespmem:s12+$0x158F0]  }
0x4f: {  	v12 =	vld [tilespmem:s24+$0x1A880];
	[tilespmem:s12+$0x15890] =	vst v11;
	v4 =	vmul.f32 v9, v4  }
0x50: {  	v11 =	vld [tilespmem:s24+$0x1A890];
	[tilespmem:s12+$0x158A0] =	vst v5;
	v3 =	vmul.f32 v8, v3  }
0x51: {  	v5 =	vld [tilespmem:s24+$0x1A8A0];
	[tilespmem:s12+$0x158B0] =	vst v4;
	v2 =	vmul.f32 v6, v2  }
0x52: {  	v4 =	vld [tilespmem:s24+$0x1A8B0];
	[tilespmem:s12+$0x158C0] =	vst v3;
	v1 =	vmul.f32 v7, v1  }
0x53: {  	v3 =	vld [tilespmem:s24+$0x1A8C0];
	[tilespmem:s12+$0x158D0] =	vst v2;
	v0 =	vmul.f32 v10, v0  }
0x54: {  	v2 =	vld [tilespmem:s24+$0x1A8D0];
	[tilespmem:s12+$0x158E0] =	vst v1  }
0x55: {  	v1 =	vld [tilespmem:s24+$0x1A8E0];
	[tilespmem:s12+$0x158F0] =	vst v0;
	s12 =	smov.u32 s24  }
0x56: {  	v0 =	vld [tilespmem:s12+$0x1A8F0]  }
0x57: {  	v6 =	vld [tilespmem:s12+$0x15880]  }
0x58: {  	v7 =	vld [tilespmem:s12+$0x15890]  }
.Ltmp0:
0x59: {  	v10 =	vld [tilespmem:s12+$0x158A0];
	(pc) =	sbr.rel @p2 .LBB2_5-.Ltmp0, $4  }
0x5a: {  	v9 =	vld [tilespmem:s12+$0x158B0]  }
0x5b: {  	v8 =	vld [tilespmem:s12+$0x158C0]  }
0x5c: {  	v12 =	vmul.f32 v6, v12;
	v6 =	vld [tilespmem:s12+$0x158D0]  }
0x5d: {  	s15 =	sadd.s32 $0x200, s15;
	v11 =	vmul.f32 v7, v11;
	v7 =	vld [tilespmem:s12+$0x158E0]  }
0x5e: {  	[tilespmem:s12+$0x15880] =	vst v12;
	v5 =	vmul.f32 v10, v5;
	v10 =	vld [tilespmem:s12+$0x158F0]  }
0x5f: {  	[tilespmem:s12+$0x15890] =	vst v11;
	v4 =	vmul.f32 v9, v4  }
0x60: {  	[tilespmem:s12+$0x158A0] =	vst v5;
	v3 =	vmul.f32 v8, v3  }
0x61: {  	[tilespmem:s12+$0x158B0] =	vst v4;
	v2 =	vmul.f32 v6, v2  }
0x62: {  	s15 =	sshll.u32 s5, $0x8;
	[tilespmem:s12+$0x158C0] =	vst v3;
	v1 =	vmul.f32 v7, v1  }
0x63: {  	s15 =	sand.u32 $0x3FFFFF00, s15;
	[tilespmem:s12+$0x158D0] =	vst v2;
	v0 =	vmul.f32 v10, v0  }
0x64: {  	s24 =	sadd.s32 $0x13880, s15;
	s15 =	sadd.s32 $0x2, s13;
	[tilespmem:s12+$0x158E0] =	vst v1  }
0x65: {  	[tilespmem:s12+$0x158F0] =	vst v0;
	s12 =	smul.u32 $0x50, s15  }
0x66: {  	[spmem:s1] =	stream.indirect.scatter.add.f32 [tilespmem:s20], [sflag:$0x3], $0x80, s24, s19, $0xb8;
	[tilespmem:$0x1F880] =	vst v63  }
0x67: {  	s13 =	sshll.u32 s15, $0x7;
	_ =	swait.ge [sflag:s17], $0x2800;
	s12 =	sadd.s32 s3, s12  }
0x68: {  	s13 =	sand.u32 $0x3FFFFF80, s13;
	[sflag:s17] =	ssyncset.done $0x0;
	s12 =	sshll.u32 s12, $0x7  }
0x69: {  	s13 =	sadd.s32 $0x14880, s13;
	[sflag:s17] =	ssyncadd.s32 $0xFFFFD800;
	s12 =	sadd.s32 s0, s12  }
0x6a: {  	[tilespmem:s20], [sflag:$0x1] =	stream.indirect.gather [hbm4b:s31+s19], $0x80, s13, s19, $0xb8;
	[tilespmem:$0x1F880] =	vst v63  }
0x6b: {  	s12 =	sshrl.u32 s12, $0x3  }
0x6c: {  	s24 =	simm.s32 $0x0;
	s12 =	sadd.s32 s4, s12  }
0x6d: {  	[tilespmem:s21], [sflag:$0x1] =	stream.linear.gather [hbm4b:s12+s24], $0x2800, $0x38;
	[tilespmem:$0x1F880] =	vst v63  }
0x6e: {  	_ =	swait.ge [sflag:s28], $0x2800  }
0x6f: {  	[sflag:s28] =	ssyncset.done $0x0  }
0x70: {  	[sflag:s28] =	ssyncadd.s32 $0xFFFFD800  }
0x71: {  	_ =	swait.ge [sflag:s28], $0x2800  }
0x72: {  	[sflag:s28] =	ssyncset.done $0x0  }
0x73: {  	s12 =	simm.s32 $0x0;
	[sflag:s28] =	ssyncadd.s32 $0xFFFFD800  }
0x74: {  	v7 =	vld [tilespmem:s12+$0x1D080]  }
0x75: {  	v11 =	vld [tilespmem:s12+$0x1D090]  }
0x76: {  	v5 =	vld [tilespmem:s12+$0x1D0A0]  }
0x77: {  	v4 =	vld [tilespmem:s12+$0x1D0B0]  }
0x78: {  	v3 =	vld [tilespmem:s12+$0x1D0C0]  }
0x79: {  	v2 =	vld [tilespmem:s12+$0x1D0D0]  }
0x7a: {  	v1 =	vld [tilespmem:s12+$0x1D0E0]  }
0x7b: {  	v0 =	vld [tilespmem:s12+$0x1D0F0]  }
0x7c: {  	v12 =	vld [tilespmem:s12+$0x18080]  }
0x7d: {  	v13 =	vld [tilespmem:s12+$0x18090]  }
0x7e: {  	v10 =	vld [tilespmem:s12+$0x180A0]  }
0x7f: {  	v9 =	vld [tilespmem:s12+$0x180B0]  }
0x80: {  	v8 =	vld [tilespmem:s12+$0x180C0]  }
0x81: {  	v6 =	vld [tilespmem:s12+$0x180D0];
	v12 =	vmul.f32 v12, v7  }
0x82: {  	s13 =	simm.s32 $0x200;
	v11 =	vmul.f32 v13, v11;
	v7 =	vld [tilespmem:s12+$0x180E0]  }
.LBB2_7:
0x83: {  	s15 =	sshra.s32 s13, $0x2;
	p2 =	sne.s32 s13, $0x9E00;
	[tilespmem:s12+$0x18080] =	vst v12;
	v5 =	vmul.f32 v10, v5;
	v10 =	vld [tilespmem:s12+$0x180F0]  }
0x84: {  	v12 =	vld [tilespmem:s15+$0x1D080];
	[tilespmem:s12+$0x18090] =	vst v11;
	v4 =	vmul.f32 v9, v4  }
0x85: {  	v11 =	vld [tilespmem:s15+$0x1D090];
	[tilespmem:s12+$0x180A0] =	vst v5;
	v3 =	vmul.f32 v8, v3  }
0x86: {  	v5 =	vld [tilespmem:s15+$0x1D0A0];
	[tilespmem:s12+$0x180B0] =	vst v4;
	v2 =	vmul.f32 v6, v2  }
0x87: {  	v4 =	vld [tilespmem:s15+$0x1D0B0];
	[tilespmem:s12+$0x180C0] =	vst v3;
	v1 =	vmul.f32 v7, v1  }
0x88: {  	v3 =	vld [tilespmem:s15+$0x1D0C0];
	[tilespmem:s12+$0x180D0] =	vst v2;
	v0 =	vmul.f32 v10, v0  }
0x89: {  	v2 =	vld [tilespmem:s15+$0x1D0D0];
	[tilespmem:s12+$0x180E0] =	vst v1  }
0x8a: {  	v1 =	vld [tilespmem:s15+$0x1D0E0];
	[tilespmem:s12+$0x180F0] =	vst v0;
	s12 =	smov.u32 s15  }
0x8b: {  	v0 =	vld [tilespmem:s12+$0x1D0F0]  }
0x8c: {  	v6 =	vld [tilespmem:s12+$0x18080]  }
0x8d: {  	v7 =	vld [tilespmem:s12+$0x18090]  }
.Ltmp1:
0x8e: {  	v10 =	vld [tilespmem:s12+$0x180A0];
	(pc) =	sbr.rel @p2 .LBB2_7-.Ltmp1, $4  }
0x8f: {  	v9 =	vld [tilespmem:s12+$0x180B0]  }
0x90: {  	v8 =	vld [tilespmem:s12+$0x180C0]  }
0x91: {  	v12 =	vmul.f32 v6, v12;
	v6 =	vld [tilespmem:s12+$0x180D0]  }
0x92: {  	s13 =	sadd.s32 $0x200, s13;
	v11 =	vmul.f32 v7, v11;
	v7 =	vld [tilespmem:s12+$0x180E0]  }
0x93: {  	[tilespmem:s12+$0x18080] =	vst v12;
	v5 =	vmul.f32 v10, v5;
	v63 =	vld [tilespmem:s12+$0x180F0]  }
0x94: {  	[tilespmem:s12+$0x18090] =	vst v11;
	v4 =	vmul.f32 v9, v4  }
0x95: {  	[tilespmem:s12+$0x180A0] =	vst v5;
	v3 =	vmul.f32 v8, v3  }
0x96: {  	[tilespmem:s12+$0x180B0] =	vst v4;
	v2 =	vmul.f32 v6, v2  }
0x97: {  	[tilespmem:s12+$0x180C0] =	vst v3;
	v1 =	vmul.f32 v7, v1  }
0x98: {  	s5 =	sadd.s32 $0x1, s5;
	[tilespmem:s12+$0x180D0] =	vst v2;
	v0 =	vmul.f32 v63, v0  }
0x99: {  	p2 =	sne.s32 s5, $0xC;
	[tilespmem:s12+$0x180E0] =	vst v1  }
.Ltmp2:
0x9a: {  	s9 =	sadd.s32 $0x13880, s9;
	[tilespmem:s12+$0x180F0] =	vst v0;
	(pc) =	sbr.rel @p2 .LBB2_4-.Ltmp2, $4  }
0x9b: {  	[spmem:s1] =	stream.indirect.scatter.add.f32 [tilespmem:s22], [sflag:$0x3], $0x80, s9, s19, $0xb8;
	[tilespmem:$0x1F880] =	vst v63  }
0x9c: {  	_ =	swait.ge [sflag:s17], $0x2800  }
0x9d: {  	[sflag:s17] =	ssyncset.done $0x0  }
0x9e: {  	[sflag:s17] =	ssyncadd.s32 $0xFFFFD800  }
0x9f: {  	_ =	swait.ge [sflag:s26], $0x2800  }
0xa0: {  	[sflag:s26] =	ssyncset.done $0x0  }
0xa1: {  	[sflag:s26] =	ssyncadd.s32 $0xFFFFD800  }
0xa2: {  	_ =	swait.ge [sflag:s26], $0x2800  }
0xa3: {  	[sflag:s26] =	ssyncset.done $0x0  }
0xa4: {  	s3 =	simm.s32 $0x0;
	[sflag:s26] =	ssyncadd.s32 $0xFFFFD800  }
0xa5: {  	v7 =	vld [tilespmem:s3+$0x1A880]  }
0xa6: {  	v11 =	vld [tilespmem:s3+$0x1A890]  }
0xa7: {  	v5 =	vld [tilespmem:s3+$0x1A8A0]  }
0xa8: {  	v4 =	vld [tilespmem:s3+$0x1A8B0]  }
0xa9: {  	v3 =	vld [tilespmem:s3+$0x1A8C0]  }
0xaa: {  	v2 =	vld [tilespmem:s3+$0x1A8D0]  }
0xab: {  	v1 =	vld [tilespmem:s3+$0x1A8E0]  }
0xac: {  	v0 =	vld [tilespmem:s3+$0x1A8F0]  }
0xad: {  	v12 =	vld [tilespmem:s3+$0x15880]  }
0xae: {  	v13 =	vld [tilespmem:s3+$0x15890]  }
0xaf: {  	v10 =	vld [tilespmem:s3+$0x158A0]  }
0xb0: {  	v9 =	vld [tilespmem:s3+$0x158B0]  }
0xb1: {  	v8 =	vld [tilespmem:s3+$0x158C0]  }
0xb2: {  	v6 =	vld [tilespmem:s3+$0x158D0];
	v12 =	vmul.f32 v12, v7  }
0xb3: {  	s5 =	simm.s32 $0x200;
	v11 =	vmul.f32 v13, v11;
	v7 =	vld [tilespmem:s3+$0x158E0]  }
.LBB2_10:
0xb4: {  	s9 =	sshra.s32 s5, $0x2;
	p2 =	sne.s32 s5, $0x9E00;
	[tilespmem:s3+$0x15880] =	vst v12;
	v5 =	vmul.f32 v10, v5;
	v10 =	vld [tilespmem:s3+$0x158F0]  }
0xb5: {  	v12 =	vld [tilespmem:s9+$0x1A880];
	[tilespmem:s3+$0x15890] =	vst v11;
	v4 =	vmul.f32 v9, v4  }
0xb6: {  	v11 =	vld [tilespmem:s9+$0x1A890];
	[tilespmem:s3+$0x158A0] =	vst v5;
	v3 =	vmul.f32 v8, v3  }
0xb7: {  	v5 =	vld [tilespmem:s9+$0x1A8A0];
	[tilespmem:s3+$0x158B0] =	vst v4;
	v2 =	vmul.f32 v6, v2  }
0xb8: {  	v4 =	vld [tilespmem:s9+$0x1A8B0];
	[tilespmem:s3+$0x158C0] =	vst v3;
	v1 =	vmul.f32 v7, v1  }
0xb9: {  	v3 =	vld [tilespmem:s9+$0x1A8C0];
	[tilespmem:s3+$0x158D0] =	vst v2;
	v0 =	vmul.f32 v10, v0  }
0xba: {  	v2 =	vld [tilespmem:s9+$0x1A8D0];
	[tilespmem:s3+$0x158E0] =	vst v1  }
0xbb: {  	v1 =	vld [tilespmem:s9+$0x1A8E0];
	[tilespmem:s3+$0x158F0] =	vst v0;
	s3 =	smov.u32 s9  }
0xbc: {  	v0 =	vld [tilespmem:s3+$0x1A8F0]  }
0xbd: {  	v6 =	vld [tilespmem:s3+$0x15880]  }
0xbe: {  	v7 =	vld [tilespmem:s3+$0x15890]  }
.Ltmp3:
0xbf: {  	v10 =	vld [tilespmem:s3+$0x158A0];
	(pc) =	sbr.rel @p2 .LBB2_10-.Ltmp3, $4  }
0xc0: {  	v9 =	vld [tilespmem:s3+$0x158B0]  }
0xc1: {  	v8 =	vld [tilespmem:s3+$0x158C0]  }
0xc2: {  	v12 =	vmul.f32 v6, v12;
	v6 =	vld [tilespmem:s3+$0x158D0]  }
0xc3: {  	s5 =	sadd.s32 $0x200, s5;
	v11 =	vmul.f32 v7, v11;
	v7 =	vld [tilespmem:s3+$0x158E0]  }
0xc4: {  	[tilespmem:s3+$0x15880] =	vst v12;
	v5 =	vmul.f32 v10, v5;
	v63 =	vld [tilespmem:s3+$0x158F0]  }
0xc5: {  	[tilespmem:s3+$0x15890] =	vst v11;
	v4 =	vmul.f32 v9, v4  }
0xc6: {  	[tilespmem:s3+$0x158A0] =	vst v5;
	v3 =	vmul.f32 v8, v3  }
0xc7: {  	[tilespmem:s3+$0x158B0] =	vst v4;
	v2 =	vmul.f32 v6, v2  }
0xc8: {  	[tilespmem:s3+$0x158C0] =	vst v3;
	v1 =	vmul.f32 v7, v1  }
0xc9: {  	s2 =	sadd.s32 $0x1, s2;
	[tilespmem:s3+$0x158D0] =	vst v2;
	v0 =	vmul.f32 v63, v0  }
0xca: {  	p2 =	sne.s32 s2, $0x5;
	[tilespmem:s3+$0x158E0] =	vst v1  }
.Ltmp4:
0xcb: {  	[tilespmem:s3+$0x158F0] =	vst v0;
	(pc) =	sbr.rel @p2 .LBB2_3-.Ltmp4, $4  }
0xcc: {  	[spmem:s1] =	stream.indirect.scatter.add.f32 [tilespmem:s20], [sflag:$0x3], $0x80, s29, s19, $0xb8;
	[tilespmem:$0x1F880] =	vst v63  }
0xcd: {  	_ =	swait.ge [sflag:s17], $0x2800  }
0xce: {  	[sflag:s17] =	ssyncset.done $0x0  }
0xcf: {  	[sflag:s17] =	ssyncadd.s32 $0xFFFFD800  }
0xd0: {  	s0 =	smul.u32 $0x271000, s30  }
0xd1: {  	s2 =	rddreg [dreg:$0x6]  }
0xd2: {  	s31 =	rddreg [dreg:$0x7];
	s0 =	sadd.s32 s2, s0  }
0xd3: {  	s3 =	stileid.u32;
	s2 =	sadd.s32 s31, s0  }
0xd4: {  	[bflag:$0x0] =	sbarrier.arrive $0xFFFF;
	s3 =	sshll.u32 s3, $0x6;
	s2 =	sshrl.u32 s2, $0x3  }
0xd5: {  	s5 =	rddreg [dreg:$0xa];
	s3 =	sor.u32 $0x1C03, s3;
	s2 =	sadd.s32 s10, s2  }
0xd6: {  	[hbm:s2], [sflag:s3] =	dma.local [spmem:s5], $0x2700  }
0xd7: {  	s0 =	sshrl.u32 @!p1 s0, $0x3;
	_ =	swait.ge [sflag:s17], $0x2700  }
0xd8: {  	s0 =	sadd.s32 @!p1 s10, s0;
	[sflag:s17] =	ssyncset.done $0x0  }
0xd9: {  	s30 =	sadd.s32 $0x1, s30;
	s0 =	sadd.s32 @!p1 $0x27000, s0;
	[sflag:s17] =	ssyncadd.s32 $0xFFFFD900  }
0xda: {  	[hbm:s0], [sflag:s3] =	dma.local @!p1 [spmem:s25], $0x100  }
0xdb: {  	p2 =	sne.s32 s30, $0x9;
	s0 =	simm.s32 @!p1 $0x3  }
.Ltmp5:
0xdc: {  	_ =	swait.ge @!p1 [sflag:s0], $0x100;
	(pc) =	sbr.rel @p2 .LBB2_2-.Ltmp5, $3  }
0xdd: {  	[sflag:s0] =	ssyncset.done @!p1 $0x0  }
0xde: {  	[sflag:s0] =	ssyncadd.s32 @!p1 $0xFFFFFF00  }
0xdf: {  	[bflag:$0x0] =	sbarrier.arrive $0xFFFF;
	_ =	sdelay $0x1  }
0xe0: {  	s9 =	rddreg [dreg:$0x3]  }
0xe1: {  	s0 =	rddreg [dreg:$0x8];
	s9 =	sadd.s32 $0x1, s9  }
0xe2: {  	p2 =	sne.s32 s9, s0  }
.Ltmp6:
0xe3: {  	_ = 	snop;
	(pc) =	sbr.rel @p2 .LBB2_1-.Ltmp6, $1  }
0xe4: {  	_ =	sdelay $0x3  }
0xe5: {  	_ =	sfence.sel $0x180000  }
0xe6: {  	[bflag:$0x0] =	sbarrier.arrive $0xFFFF  }
0xe7: {  	_ =	strace $0x90000047  }
0xe8: {  	[bflag:$0x2] =	sbarrier.arrive $0xFFFF  }
0xe9: {  	s0 =	rddreg [dreg:$0x2]  }
0xea: {  	s0 =	sadd.s32 @!p0 $0x100000, s0  }
0xeb: {  	[sflag:s0] =	ssyncadd.tile.s32 @!p0 $0x1;
	_ =	shalt  }
.Lfunc_end2:
_tile_overlayer_lowered:
.L_overlay_start_2:
0xec: {  	(tag) =	ssettag $0x2  }
0xed: {  	s0 =	rddreg [dreg:$0x0];
	s2 =	stileid.u32  }
0xee: {  	s1 =	rddreg [dreg:$0x1];
	p0 =	sne.s32 s2, $0x0  }
0xef: {  	s3 =	rddreg [dreg:$0x2];
	[bflag:$0x3] =	sbarrier.arrive $0xFFFF;
	s2 =	simm.s32 @!p0 $0x1C03  }
0xf0: {  	[timem:s3], [sflag:s2] =	dma.local @!p0 [hbm:s0], s1  }
0xf1: {  	s0 =	simm.s32 @!p0 $0x3  }
0xf2: {  	_ =	swait.ge @!p0 [sflag:s0], s1  }
0xf3: {  	s1 =	ssub.s32 @!p0 $0x0, s1;
	[sflag:s0] =	ssyncset.done @!p0 $0x0  }
0xf4: {  	[sflag:s0] =	ssyncadd.s32 @!p0 s1  }
0xf5: {  	[bflag:$0x3] =	sbarrier.arrive $0xFFFF  }
0xf6: {  	_ =	shalt  }

</sc_bundles>
